<compile_context>
chip_gen: v7x
topology: tpu7x:2x2x1
jax: 0.10.2.dev20260603
libtpu: 0.0.44.dev20260713+nightly
codegen_flags: <defaults>
</compile_context>

<pallas_src>
import functools

import jax
import jax.numpy as jnp
import numpy as np
from jax import lax
from jax.experimental import pallas as pl
from jax.experimental.pallas import tpu as pltpu
from jax.experimental.pallas import tpu_sc as plsc

_ASD = np.array([
    [0,1,1,0,0,0,0,0,0,0,0,0,0],
    [0,0,0,1,1,0,0,0,0,0,0,0,0],
    [0,0,0,0,1,1,0,0,0,0,0,0,0],
    [0,0,0,0,0,0,1,1,0,0,0,0,0],
    [0,0,0,0,0,0,0,1,1,0,0,0,0],
    [0,0,0,0,0,0,0,0,1,1,0,0,0],
    [0,0,0,0,0,0,0,0,0,0,1,0,0],
    [0,0,0,0,0,0,0,0,0,0,1,1,0],
    [0,0,0,0,0,0,0,0,0,0,0,1,1],
    [0,0,0,0,0,0,0,0,0,0,0,0,1],
    [0,0,0,0,0,0,0,0,0,0,1,0,0],
    [0,0,0,0,0,0,0,0,0,0,0,1,0],
    [0,0,0,0,0,0,0,0,0,0,0,0,1]], dtype=np.float32)

_NC = 2
_NS = 16
_NW = _NC * _NS


def _policy_body(sub_ref, dip_ref, idx_ref, dmask_ref, asd_ref,
                 pol_ref, sv_ref, fidx_ref):
    B = sub_ref.shape[0]
    l = sub_ref[...]
    row = lax.broadcasted_iota(jnp.int32, l.shape, 1)
    l = jnp.where(row == 0, 1.0, l)
    m = asd_ref[...] > 0.0
    e = jnp.where(m[None, :, :], jnp.exp(l), 0.0)
    pol_ref[...] = e / jnp.sum(e, axis=2, keepdims=True)

    d = dip_ref[...]
    de = jnp.where(dmask_ref[...] > 0.0, jnp.exp(d), 0.0)
    sv_ref[...] = de / jnp.sum(de, axis=1, keepdims=True)

    idx = idx_ref[...]
    b_global = pl.program_id(0) * B + lax.broadcasted_iota(jnp.int32, idx.shape, 0)
    fidx_ref[...] = idx + 13 * b_global


def _sc_gather_body(bpt, chb, S, table_hbm, fidx_hbm, out_hbm,
                    idx_v, rows_v, sem, osem):
    wid = lax.axis_index("s") * _NC + lax.axis_index("c")
    b00 = wid * bpt
    rows_chunk = chb * S

    def do_chunk(g, carry):
        b0 = b00 + g * chb
        base = b0 * S
        pltpu.sync_copy(fidx_hbm.at[pl.ds(base // 128, rows_chunk // 128)],
                        idx_v)
        hs = []
        for j in range(rows_chunk // 128):
            hs.append(pltpu.async_copy(
                table_hbm.at[idx_v.at[j]],
                rows_v.at[pl.ds(j * 128, 128)], sem))
        for h in hs:
            h.wait()
        os_ = []
        for i in range(chb):
            os_.append(pltpu.async_copy(
                rows_v.at[pl.ds(i * S, S)], out_hbm.at[b0 + i], osem))
        for h in os_:
            h.wait()
        return carry

    lax.fori_loop(0, bpt // chb, do_chunk, 0)


def kernel(sub_logit, dip_logit, sub_pos_samples, dip_mask):
    N, K, _ = sub_logit.shape
    S = sub_pos_samples.shape[1]
    B = 256
    asd = jnp.asarray(_ASD)
    dmaskf = dip_mask.astype(jnp.float32)
    pol, sv, fidx = pl.pallas_call(
        _policy_body,
        grid=(N // B,),
        in_specs=[
            pl.BlockSpec((B, K, K), lambda i: (i, 0, 0)),
            pl.BlockSpec((B, 3), lambda i: (i, 0)),
            pl.BlockSpec((B, S), lambda i: (i, 0)),
            pl.BlockSpec((B, 3), lambda i: (i, 0)),
            pl.BlockSpec((K, K), lambda i: (0, 0)),
        ],
        out_specs=[
            pl.BlockSpec((B, K, K), lambda i: (i, 0, 0)),
            pl.BlockSpec((B, 3), lambda i: (i, 0)),
            pl.BlockSpec((B, S), lambda i: (i, 0)),
        ],
        out_shape=[
            jax.ShapeDtypeStruct((N, K, K), jnp.float32),
            jax.ShapeDtypeStruct((N, 3), jnp.float32),
            jax.ShapeDtypeStruct((N, S), jnp.int32),
        ],
    )(sub_logit, dip_logit, sub_pos_samples, dmaskf, asd)

    table16 = jnp.pad(pol, ((0, 0), (0, 0), (0, 16 - K))).reshape(N * K, 16)

    rows = N * S
    bpt = N // _NW
    chb = 16
    mesh = plsc.VectorSubcoreMesh(core_axis_name="c", subcore_axis_name="s",
                                  num_cores=_NC, num_subcores=_NS)
    samp16 = pl.kernel(
        functools.partial(_sc_gather_body, bpt, chb, S),
        out_type=jax.ShapeDtypeStruct((N, S, 16), jnp.float32),
        mesh=mesh,
        scratch_types=[
            pltpu.VMEM((chb * S // 128, 128), jnp.int32),
            pltpu.VMEM((chb * S, 16), jnp.float32),
            pltpu.SemaphoreType.DMA,
            pltpu.SemaphoreType.DMA,
        ],
        compiler_params=pltpu.CompilerParams(use_tc_tiling_on_sc=False),
    )(table16, fidx.reshape(rows // 128, 128))
    return (pol, samp16[:, :, :K], sv)

# --- scband reference (transcript-rebuilt; emitter-appended) ---
"""Pipeline reference for scband-sub-env-38276748542839 (READ-ONLY COPY).

The authoritative reference and input builder live on the scoring server;
editing this copy changes nothing except your own understanding.
"""

import jax, jax.numpy as jnp
import numpy as np

AVAILABLE_SUB_DESTINATIONS = jnp.array(np.array([
    [0,1,1,0,0,0,0,0,0,0,0,0,0],
    [0,0,0,1,1,0,0,0,0,0,0,0,0],
    [0,0,0,0,1,1,0,0,0,0,0,0,0],
    [0,0,0,0,0,0,1,1,0,0,0,0,0],
    [0,0,0,0,0,0,0,1,1,0,0,0,0],
    [0,0,0,0,0,0,0,0,1,1,0,0,0],
    [0,0,0,0,0,0,0,0,0,0,1,0,0],
    [0,0,0,0,0,0,0,0,0,0,1,1,0],
    [0,0,0,0,0,0,0,0,0,0,0,1,1],
    [0,0,0,0,0,0,0,0,0,0,0,0,1],
    [0,0,0,0,0,0,0,0,0,0,1,0,0],
    [0,0,0,0,0,0,0,0,0,0,0,1,0],
    [0,0,0,0,0,0,0,0,0,0,0,0,1]], dtype=bool))

N = 16384
n = 200
N_NODES = 13
N_DIPS = 3

def setup_inputs(seed: int = 0) -> dict:
    key = jax.random.key(seed)
    k1, k2, k3 = jax.random.split(key, 3)
    sub_logit = jax.random.normal(k1, (N, N_NODES, N_NODES), dtype=jnp.float32)
    dip_logit = jax.random.normal(k2, (N, N_DIPS), dtype=jnp.float32)
    sub_pos_samples = jax.random.randint(k3, (N, n), 0, N_NODES, dtype=jnp.int32)
    dip_mask = jnp.ones((N, N_DIPS), dtype=jnp.bool_)
    return {"sub_logit": sub_logit, "dip_logit": dip_logit,
            "sub_pos_samples": sub_pos_samples, "dip_mask": dip_mask}

def reference(sub_logit, dip_logit, sub_pos_samples, dip_mask):
    # SubEnv.mask_logit_to_policy, faithful translation
    sub_logit = sub_logit.at[:, 0, :].set(1.0)
    logit_exp = jnp.exp(dip_logit)
    logit_exp = jnp.where(dip_mask[:], logit_exp, 0.0)
    sv_policy = logit_exp / jnp.sum(logit_exp, axis=1, keepdims=True)
    Nb = sub_pos_samples.shape[0]
    batch_idx = jnp.arange(Nb)
    sampled_mask = AVAILABLE_SUB_DESTINATIONS[sub_pos_samples]
    sampled_logit = sub_logit[batch_idx[:, None], sub_pos_samples, :]
    sampled_masked_logit = jnp.where(sampled_mask, sampled_logit, 0.0)
    sampled_masked_exp_logit = jnp.exp(sampled_masked_logit)
    sampled_masked_exp_logit = jnp.where(sampled_mask, sampled_masked_exp_logit, 0.0)
    sampled_sub_policy = sampled_masked_exp_logit / jnp.sum(sampled_masked_exp_logit, axis=2, keepdims=True)
    sub_logit = jnp.where(AVAILABLE_SUB_DESTINATIONS[None, :], sub_logit, 1e-15)
    sub_exp_logit = jnp.where(AVAILABLE_SUB_DESTINATIONS[None, :], jnp.exp(sub_logit), 0.0)
    sub_policy = sub_exp_logit / jnp.sum(sub_exp_logit, where=AVAILABLE_SUB_DESTINATIONS[None, :], axis=2, keepdims=True)
    return (sub_policy, sampled_sub_policy, sv_policy)

if __name__ == "__main__":
    import jax
    _d = setup_inputs()
    print(jax.jit(kernel)(*tuple(_d.values())))

</pallas_src>

<mosaic_0001>
#map = affine_map<(d0, d1) -> (0, 0)>
#map1 = affine_map<(d0, d1) -> (0, 0, 0)>
module attributes {stable_mosaic.version = 14 : i64} {
  func.func @_sc_gather_body(%arg0: i32, %arg1: i32, %arg2: memref<212992x16xf32, #tpu.memory_space<hbm>>, %arg3: memref<25600x128xi32, #tpu.memory_space<hbm>>, %arg4: memref<16384x200x16xf32, #tpu.memory_space<hbm>>, %arg5: memref<25x128xi32, #tpu.memory_space<vmem>>, %arg6: memref<3200x16xf32, #tpu.memory_space<vmem>>, %arg7: memref<!tpu.dma_semaphore, #tpu.memory_space<semaphore_mem>>, %arg8: memref<!tpu.dma_semaphore, #tpu.memory_space<semaphore_mem>>) attributes {dimension_semantics = [#tpu.dimension_semantics<core_parallel>, #tpu.dimension_semantics<subcore_parallel>], iteration_bounds = array<i64: 2, 16>, scalar_prefetch = 0 : i64, scratch_operands = 4 : i64, tpu.core_type = #tpu.core_type<sc_vector_subcore>, window_params = [{transform_indices = #map}, {transform_indices = #map}, {transform_indices = #map1}]} {
    %mul3A = arith.constant 2 : i32
    %mul3A_0 = arith.muli %arg1, %mul3A : i32
    %add3A = arith.addi %mul3A_0, %arg0 : i32
    %mul3A_1 = arith.constant 512 : i32
    %mul3A_2 = arith.muli %add3A, %mul3A_1 : i32
    %scan3A = arith.constant 0 : i32
    %scan3A_3 = arith.constant 0 : i32
    %scan3A_4 = arith.constant 32 : i32
    %scan3A_5 = arith.addi %scan3A_3, %scan3A_4 : i32
    %scan3A_6 = arith.constant 1 : i32
    scf.for %scan3A_8 = %scan3A_3 to %scan3A_5 step %scan3A_6  : i32 {
      %mul3A_9 = arith.constant 16 : i32
      %mul3A_10 = arith.muli %scan3A_8, %mul3A_9 : i32
      %add3A_11 = arith.addi %mul3A_2, %mul3A_10 : i32
      %mul3A_12 = arith.constant 200 : i32
      %mul3A_13 = arith.muli %add3A_11, %mul3A_12 : i32
      %jit3A = arith.constant 128 : i32
      %div3A = arith.divsi %mul3A_13, %jit3A : i32
      %sign3A = arith.constant 0 : i32
      %sign3A_14 = arith.cmpi sgt, %mul3A_13, %sign3A : i32
      %sign3A_15 = arith.extui %sign3A_14 : i1 to i32
      %sign3A_16 = arith.constant 0 : i32
      %sign3A_17 = arith.cmpi slt, %mul3A_13, %sign3A_16 : i32
      %sign3A_18 = arith.extui %sign3A_17 : i1 to i32
      %sign3A_19 = arith.subi %sign3A_15, %sign3A_18 : i32
      %sign3A_20 = arith.constant 0 : i32
      %sign3A_21 = arith.cmpi sgt, %jit3A, %sign3A_20 : i32
      %sign3A_22 = arith.extui %sign3A_21 : i1 to i32
      %sign3A_23 = arith.constant 0 : i32
      %sign3A_24 = arith.cmpi slt, %jit3A, %sign3A_23 : i32
      %sign3A_25 = arith.extui %sign3A_24 : i1 to i32
      %sign3A_26 = arith.subi %sign3A_22, %sign3A_25 : i32
      %ne3A = arith.cmpi ne, %sign3A_19, %sign3A_26 : i32
      %rem3A = arith.remsi %mul3A_13, %jit3A : i32
      %ne3A_27 = arith.constant 0 : i32
      %ne3A_28 = arith.cmpi ne, %rem3A, %ne3A_27 : i32
      %and3A = arith.andi %ne3A, %ne3A_28 : i1
      %sub3A = arith.constant 1 : i32
      %sub3A_29 = arith.subi %div3A, %sub3A : i32
      %select_n3A = arith.select %and3A, %sub3A_29, %div3A : i32
      "tpu.region"() ({
        %run_scoped3A = tpu.sem_alloc : memref<!tpu.dma_semaphore, #tpu.memory_space<semaphore_mem>>
        %dma_start3A_1008 = arith.constant 0 : i32
        %dma_start3A_1009 = tpu.memref_slice %arg3[%select_n3A, %dma_start3A_1008] : memref<25600x128xi32, #tpu.memory_space<hbm>> -> memref<25x128xi32, #tpu.memory_space<hbm>>
        %dma_start3A_1010 = arith.constant 0 : i32
        %dma_start3A_1011 = tpu.memref_slice %arg3[%select_n3A, %dma_start3A_1010] : memref<25600x128xi32, #tpu.memory_space<hbm>> -> memref<25x128xi32, #tpu.memory_space<hbm>>
        tpu.enqueue_dma source(%dma_start3A_1011 : memref<25x128xi32, #tpu.memory_space<hbm>>) target(%arg5 : memref<25x128xi32, #tpu.memory_space<vmem>>) target_semaphore(%run_scoped3A : memref<!tpu.dma_semaphore, #tpu.memory_space<semaphore_mem>>)
        %dma_wait3A_1012 = arith.constant 0 : i32
        %dma_wait3A_1013 = tpu.memref_slice %arg3[%select_n3A, %dma_wait3A_1012] : memref<25600x128xi32, #tpu.memory_space<hbm>> -> memref<25x128xi32, #tpu.memory_space<hbm>>
        %dma_wait3A_1014 = arith.constant 0 : i32
        %dma_wait3A_1015 = tpu.memref_slice %arg3[%select_n3A, %dma_wait3A_1014] : memref<25600x128xi32, #tpu.memory_space<hbm>> -> memref<25x128xi32, #tpu.memory_space<hbm>>
        tpu.wait_dma2 semaphore(%run_scoped3A : memref<!tpu.dma_semaphore, #tpu.memory_space<semaphore_mem>>) src(%dma_wait3A_1015 : memref<25x128xi32, #tpu.memory_space<hbm>>) dst(%arg5 : memref<25x128xi32, #tpu.memory_space<vmem>>)
        tpu.yield
      }) : () -> ()
      %dma_start3A = arith.constant 0 : i32
      %dma_start3A_30 = arith.constant 0 : i32
      %dma_start3A_31 = arith.constant 0 : i32
      %dma_start3A_32 = tpu.memref_slice %arg6[%dma_start3A_30, %dma_start3A_31] : memref<3200x16xf32, #tpu.memory_space<vmem>> -> memref<128x16xf32, #tpu.memory_space<vmem>>
      %dma_start3A_33 = arith.constant 0 : i32
      %dma_start3A_34 = tpu.memref_slice %arg5[%dma_start3A, %dma_start3A_33] : memref<25x128xi32, #tpu.memory_space<vmem>> -> memref<1x128xi32, #tpu.memory_space<vmem>>
      %dma_start3A_35 = tpu.memref_squeeze %dma_start3A_34 : memref<1x128xi32, #tpu.memory_space<vmem>> -> memref<128xi32, #tpu.memory_space<vmem>>
      %dma_start3A_36 = arith.constant 0 : i32
      %dma_start3A_37 = arith.constant 0 : i32
      %dma_start3A_38 = tpu.memref_slice %arg2[%dma_start3A_36, %dma_start3A_37] : memref<212992x16xf32, #tpu.memory_space<hbm>> -> memref<212992x16xf32, #tpu.memory_space<hbm>>
      tpu.enqueue_indirect_dma source(%dma_start3A_38 : memref<212992x16xf32, #tpu.memory_space<hbm>>) target(%dma_start3A_32 : memref<128x16xf32, #tpu.memory_space<vmem>>) offsets(%dma_start3A_35 : memref<128xi32, #tpu.memory_space<vmem>>) semaphore(%arg7 : memref<!tpu.dma_semaphore, #tpu.memory_space<semaphore_mem>>)
      %dma_start3A_39 = arith.constant 1 : i32
      %dma_start3A_40 = arith.constant 128 : i32
      %dma_start3A_41 = arith.constant 0 : i32
      %dma_start3A_42 = tpu.memref_slice %arg6[%dma_start3A_40, %dma_start3A_41] : memref<3200x16xf32, #tpu.memory_space<vmem>> -> memref<128x16xf32, #tpu.memory_space<vmem>>
      %dma_start3A_43 = arith.constant 0 : i32
      %dma_start3A_44 = tpu.memref_slice %arg5[%dma_start3A_39, %dma_start3A_43] : memref<25x128xi32, #tpu.memory_space<vmem>> -> memref<1x128xi32, #tpu.memory_space<vmem>>
      %dma_start3A_45 = tpu.memref_squeeze %dma_start3A_44 : memref<1x128xi32, #tpu.memory_space<vmem>> -> memref<128xi32, #tpu.memory_space<vmem>>
      %dma_start3A_46 = arith.constant 0 : i32
      %dma_start3A_47 = arith.constant 0 : i32
      %dma_start3A_48 = tpu.memref_slice %arg2[%dma_start3A_46, %dma_start3A_47] : memref<212992x16xf32, #tpu.memory_space<hbm>> -> memref<212992x16xf32, #tpu.memory_space<hbm>>
      tpu.enqueue_indirect_dma source(%dma_start3A_48 : memref<212992x16xf32, #tpu.memory_space<hbm>>) target(%dma_start3A_42 : memref<128x16xf32, #tpu.memory_space<vmem>>) offsets(%dma_start3A_45 : memref<128xi32, #tpu.memory_space<vmem>>) semaphore(%arg7 : memref<!tpu.dma_semaphore, #tpu.memory_space<semaphore_mem>>)
      %dma_start3A_49 = arith.constant 2 : i32
      %dma_start3A_50 = arith.constant 256 : i32
      %dma_start3A_51 = arith.constant 0 : i32
      %dma_start3A_52 = tpu.memref_slice %arg6[%dma_start3A_50, %dma_start3A_51] : memref<3200x16xf32, #tpu.memory_space<vmem>> -> memref<128x16xf32, #tpu.memory_space<vmem>>
      %dma_start3A_53 = arith.constant 0 : i32
      %dma_start3A_54 = tpu.memref_slice %arg5[%dma_start3A_49, %dma_start3A_53] : memref<25x128xi32, #tpu.memory_space<vmem>> -> memref<1x128xi32, #tpu.memory_space<vmem>>
      %dma_start3A_55 = tpu.memref_squeeze %dma_start3A_54 : memref<1x128xi32, #tpu.memory_space<vmem>> -> memref<128xi32, #tpu.memory_space<vmem>>
      %dma_start3A_56 = arith.constant 0 : i32
      %dma_start3A_57 = arith.constant 0 : i32
      %dma_start3A_58 = tpu.memref_slice %arg2[%dma_start3A_56, %dma_start3A_57] : memref<212992x16xf32, #tpu.memory_space<hbm>> -> memref<212992x16xf32, #tpu.memory_space<hbm>>
      tpu.enqueue_indirect_dma source(%dma_start3A_58 : memref<212992x16xf32, #tpu.memory_space<hbm>>) target(%dma_start3A_52 : memref<128x16xf32, #tpu.memory_space<vmem>>) offsets(%dma_start3A_55 : memref<128xi32, #tpu.memory_space<vmem>>) semaphore(%arg7 : memref<!tpu.dma_semaphore, #tpu.memory_space<semaphore_mem>>)
      %dma_start3A_59 = arith.constant 3 : i32
      %dma_start3A_60 = arith.constant 384 : i32
      %dma_start3A_61 = arith.constant 0 : i32
      %dma_start3A_62 = tpu.memref_slice %arg6[%dma_start3A_60, %dma_start3A_61] : memref<3200x16xf32, #tpu.memory_space<vmem>> -> memref<128x16xf32, #tpu.memory_space<vmem>>
      %dma_start3A_63 = arith.constant 0 : i32
      %dma_start3A_64 = tpu.memref_slice %arg5[%dma_start3A_59, %dma_start3A_63] : memref<25x128xi32, #tpu.memory_space<vmem>> -> memref<1x128xi32, #tpu.memory_space<vmem>>
      %dma_start3A_65 = tpu.memref_squeeze %dma_start3A_64 : memref<1x128xi32, #tpu.memory_space<vmem>> -> memref<128xi32, #tpu.memory_space<vmem>>
      %dma_start3A_66 = arith.constant 0 : i32
      %dma_start3A_67 = arith.constant 0 : i32
      %dma_start3A_68 = tpu.memref_slice %arg2[%dma_start3A_66, %dma_start3A_67] : memref<212992x16xf32, #tpu.memory_space<hbm>> -> memref<212992x16xf32, #tpu.memory_space<hbm>>
      tpu.enqueue_indirect_dma source(%dma_start3A_68 : memref<212992x16xf32, #tpu.memory_space<hbm>>) target(%dma_start3A_62 : memref<128x16xf32, #tpu.memory_space<vmem>>) offsets(%dma_start3A_65 : memref<128xi32, #tpu.memory_space<vmem>>) semaphore(%arg7 : memref<!tpu.dma_semaphore, #tpu.memory_space<semaphore_mem>>)
      %dma_start3A_69 = arith.constant 4 : i32
      %dma_start3A_70 = arith.constant 512 : i32
      %dma_start3A_71 = arith.constant 0 : i32
      %dma_start3A_72 = tpu.memref_slice %arg6[%dma_start3A_70, %dma_start3A_71] : memref<3200x16xf32, #tpu.memory_space<vmem>> -> memref<128x16xf32, #tpu.memory_space<vmem>>
      %dma_start3A_73 = arith.constant 0 : i32
      %dma_start3A_74 = tpu.memref_slice %arg5[%dma_start3A_69, %dma_start3A_73] : memref<25x128xi32, #tpu.memory_space<vmem>> -> memref<1x128xi32, #tpu.memory_space<vmem>>
      %dma_start3A_75 = tpu.memref_squeeze %dma_start3A_74 : memref<1x128xi32, #tpu.memory_space<vmem>> -> memref<128xi32, #tpu.memory_space<vmem>>
      %dma_start3A_76 = arith.constant 0 : i32
      %dma_start3A_77 = arith.constant 0 : i32
      %dma_start3A_78 = tpu.memref_slice %arg2[%dma_start3A_76, %dma_start3A_77] : memref<212992x16xf32, #tpu.memory_space<hbm>> -> memref<212992x16xf32, #tpu.memory_space<hbm>>
      tpu.enqueue_indirect_dma source(%dma_start3A_78 : memref<212992x16xf32, #tpu.memory_space<hbm>>) target(%dma_start3A_72 : memref<128x16xf32, #tpu.memory_space<vmem>>) offsets(%dma_start3A_75 : memref<128xi32, #tpu.memory_space<vmem>>) semaphore(%arg7 : memref<!tpu.dma_semaphore, #tpu.memory_space<semaphore_mem>>)
      %dma_start3A_79 = arith.constant 5 : i32
      %dma_start3A_80 = arith.constant 640 : i32
      %dma_start3A_81 = arith.constant 0 : i32
      %dma_start3A_82 = tpu.memref_slice %arg6[%dma_start3A_80, %dma_start3A_81] : memref<3200x16xf32, #tpu.memory_space<vmem>> -> memref<128x16xf32, #tpu.memory_space<vmem>>
      %dma_start3A_83 = arith.constant 0 : i32
      %dma_start3A_84 = tpu.memref_slice %arg5[%dma_start3A_79, %dma_start3A_83] : memref<25x128xi32, #tpu.memory_space<vmem>> -> memref<1x128xi32, #tpu.memory_space<vmem>>
      %dma_start3A_85 = tpu.memref_squeeze %dma_start3A_84 : memref<1x128xi32, #tpu.memory_space<vmem>> -> memref<128xi32, #tpu.memory_space<vmem>>
      %dma_start3A_86 = arith.constant 0 : i32
      %dma_start3A_87 = arith.constant 0 : i32
      %dma_start3A_88 = tpu.memref_slice %arg2[%dma_start3A_86, %dma_start3A_87] : memref<212992x16xf32, #tpu.memory_space<hbm>> -> memref<212992x16xf32, #tpu.memory_space<hbm>>
      tpu.enqueue_indirect_dma source(%dma_start3A_88 : memref<212992x16xf32, #tpu.memory_space<hbm>>) target(%dma_start3A_82 : memref<128x16xf32, #tpu.memory_space<vmem>>) offsets(%dma_start3A_85 : memref<128xi32, #tpu.memory_space<vmem>>) semaphore(%arg7 : memref<!tpu.dma_semaphore, #tpu.memory_space<semaphore_mem>>)
      %dma_start3A_89 = arith.constant 6 : i32
      %dma_start3A_90 = arith.constant 768 : i32
      %dma_start3A_91 = arith.constant 0 : i32
      %dma_start3A_92 = tpu.memref_slice %arg6[%dma_start3A_90, %dma_start3A_91] : memref<3200x16xf32, #tpu.memory_space<vmem>> -> memref<128x16xf32, #tpu.memory_space<vmem>>
      %dma_start3A_93 = arith.constant 0 : i32
      %dma_start3A_94 = tpu.memref_slice %arg5[%dma_start3A_89, %dma_start3A_93] : memref<25x128xi32, #tpu.memory_space<vmem>> -> memref<1x128xi32, #tpu.memory_space<vmem>>
      %dma_start3A_95 = tpu.memref_squeeze %dma_start3A_94 : memref<1x128xi32, #tpu.memory_space<vmem>> -> memref<128xi32, #tpu.memory_space<vmem>>
      %dma_start3A_96 = arith.constant 0 : i32
      %dma_start3A_97 = arith.constant 0 : i32
      %dma_start3A_98 = tpu.memref_slice %arg2[%dma_start3A_96, %dma_start3A_97] : memref<212992x16xf32, #tpu.memory_space<hbm>> -> memref<212992x16xf32, #tpu.memory_space<hbm>>
      tpu.enqueue_indirect_dma source(%dma_start3A_98 : memref<212992x16xf32, #tpu.memory_space<hbm>>) target(%dma_start3A_92 : memref<128x16xf32, #tpu.memory_space<vmem>>) offsets(%dma_start3A_95 : memref<128xi32, #tpu.memory_space<vmem>>) semaphore(%arg7 : memref<!tpu.dma_semaphore, #tpu.memory_space<semaphore_mem>>)
      %dma_start3A_99 = arith.constant 7 : i32
      %dma_start3A_100 = arith.constant 896 : i32
      %dma_start3A_101 = arith.constant 0 : i32
      %dma_start3A_102 = tpu.memref_slice %arg6[%dma_start3A_100, %dma_start3A_101] : memref<3200x16xf32, #tpu.memory_space<vmem>> -> memref<128x16xf32, #tpu.memory_space<vmem>>
      %dma_start3A_103 = arith.constant 0 : i32
      %dma_start3A_104 = tpu.memref_slice %arg5[%dma_start3A_99, %dma_start3A_103] : memref<25x128xi32, #tpu.memory_space<vmem>> -> memref<1x128xi32, #tpu.memory_space<vmem>>
      %dma_start3A_105 = tpu.memref_squeeze %dma_start3A_104 : memref<1x128xi32, #tpu.memory_space<vmem>> -> memref<128xi32, #tpu.memory_space<vmem>>
      %dma_start3A_106 = arith.constant 0 : i32
      %dma_start3A_107 = arith.constant 0 : i32
      %dma_start3A_108 = tpu.memref_slice %arg2[%dma_start3A_106, %dma_start3A_107] : memref<212992x16xf32, #tpu.memory_space<hbm>> -> memref<212992x16xf32, #tpu.memory_space<hbm>>
      tpu.enqueue_indirect_dma source(%dma_start3A_108 : memref<212992x16xf32, #tpu.memory_space<hbm>>) target(%dma_start3A_102 : memref<128x16xf32, #tpu.memory_space<vmem>>) offsets(%dma_start3A_105 : memref<128xi32, #tpu.memory_space<vmem>>) semaphore(%arg7 : memref<!tpu.dma_semaphore, #tpu.memory_space<semaphore_mem>>)
      %dma_start3A_109 = arith.constant 8 : i32
      %dma_start3A_110 = arith.constant 1024 : i32
      %dma_start3A_111 = arith.constant 0 : i32
      %dma_start3A_112 = tpu.memref_slice %arg6[%dma_start3A_110, %dma_start3A_111] : memref<3200x16xf32, #tpu.memory_space<vmem>> -> memref<128x16xf32, #tpu.memory_space<vmem>>
      %dma_start3A_113 = arith.constant 0 : i32
      %dma_start3A_114 = tpu.memref_slice %arg5[%dma_start3A_109, %dma_start3A_113] : memref<25x128xi32, #tpu.memory_space<vmem>> -> memref<1x128xi32, #tpu.memory_space<vmem>>
      %dma_start3A_115 = tpu.memref_squeeze %dma_start3A_114 : memref<1x128xi32, #tpu.memory_space<vmem>> -> memref<128xi32, #tpu.memory_space<vmem>>
      %dma_start3A_116 = arith.constant 0 : i32
      %dma_start3A_117 = arith.constant 0 : i32
      %dma_start3A_118 = tpu.memref_slice %arg2[%dma_start3A_116, %dma_start3A_117] : memref<212992x16xf32, #tpu.memory_space<hbm>> -> memref<212992x16xf32, #tpu.memory_space<hbm>>
      tpu.enqueue_indirect_dma source(%dma_start3A_118 : memref<212992x16xf32, #tpu.memory_space<hbm>>) target(%dma_start3A_112 : memref<128x16xf32, #tpu.memory_space<vmem>>) offsets(%dma_start3A_115 : memref<128xi32, #tpu.memory_space<vmem>>) semaphore(%arg7 : memref<!tpu.dma_semaphore, #tpu.memory_space<semaphore_mem>>)
      %dma_start3A_119 = arith.constant 9 : i32
      %dma_start3A_120 = arith.constant 1152 : i32
      %dma_start3A_121 = arith.constant 0 : i32
      %dma_start3A_122 = tpu.memref_slice %arg6[%dma_start3A_120, %dma_start3A_121] : memref<3200x16xf32, #tpu.memory_space<vmem>> -> memref<128x16xf32, #tpu.memory_space<vmem>>
      %dma_start3A_123 = arith.constant 0 : i32
      %dma_start3A_124 = tpu.memref_slice %arg5[%dma_start3A_119, %dma_start3A_123] : memref<25x128xi32, #tpu.memory_space<vmem>> -> memref<1x128xi32, #tpu.memory_space<vmem>>
      %dma_start3A_125 = tpu.memref_squeeze %dma_start3A_124 : memref<1x128xi32, #tpu.memory_space<vmem>> -> memref<128xi32, #tpu.memory_space<vmem>>
      %dma_start3A_126 = arith.constant 0 : i32
      %dma_start3A_127 = arith.constant 0 : i32
      %dma_start3A_128 = tpu.memref_slice %arg2[%dma_start3A_126, %dma_start3A_127] : memref<212992x16xf32, #tpu.memory_space<hbm>> -> memref<212992x16xf32, #tpu.memory_space<hbm>>
      tpu.enqueue_indirect_dma source(%dma_start3A_128 : memref<212992x16xf32, #tpu.memory_space<hbm>>) target(%dma_start3A_122 : memref<128x16xf32, #tpu.memory_space<vmem>>) offsets(%dma_start3A_125 : memref<128xi32, #tpu.memory_space<vmem>>) semaphore(%arg7 : memref<!tpu.dma_semaphore, #tpu.memory_space<semaphore_mem>>)
      %dma_start3A_129 = arith.constant 10 : i32
      %dma_start3A_130 = arith.constant 1280 : i32
      %dma_start3A_131 = arith.constant 0 : i32
      %dma_start3A_132 = tpu.memref_slice %arg6[%dma_start3A_130, %dma_start3A_131] : memref<3200x16xf32, #tpu.memory_space<vmem>> -> memref<128x16xf32, #tpu.memory_space<vmem>>
      %dma_start3A_133 = arith.constant 0 : i32
      %dma_start3A_134 = tpu.memref_slice %arg5[%dma_start3A_129, %dma_start3A_133] : memref<25x128xi32, #tpu.memory_space<vmem>> -> memref<1x128xi32, #tpu.memory_space<vmem>>
      %dma_start3A_135 = tpu.memref_squeeze %dma_start3A_134 : memref<1x128xi32, #tpu.memory_space<vmem>> -> memref<128xi32, #tpu.memory_space<vmem>>
      %dma_start3A_136 = arith.constant 0 : i32
      %dma_start3A_137 = arith.constant 0 : i32
      %dma_start3A_138 = tpu.memref_slice %arg2[%dma_start3A_136, %dma_start3A_137] : memref<212992x16xf32, #tpu.memory_space<hbm>> -> memref<212992x16xf32, #tpu.memory_space<hbm>>
      tpu.enqueue_indirect_dma source(%dma_start3A_138 : memref<212992x16xf32, #tpu.memory_space<hbm>>) target(%dma_start3A_132 : memref<128x16xf32, #tpu.memory_space<vmem>>) offsets(%dma_start3A_135 : memref<128xi32, #tpu.memory_space<vmem>>) semaphore(%arg7 : memref<!tpu.dma_semaphore, #tpu.memory_space<semaphore_mem>>)
      %dma_start3A_139 = arith.constant 11 : i32
      %dma_start3A_140 = arith.constant 1408 : i32
      %dma_start3A_141 = arith.constant 0 : i32
      %dma_start3A_142 = tpu.memref_slice %arg6[%dma_start3A_140, %dma_start3A_141] : memref<3200x16xf32, #tpu.memory_space<vmem>> -> memref<128x16xf32, #tpu.memory_space<vmem>>
      %dma_start3A_143 = arith.constant 0 : i32
      %dma_start3A_144 = tpu.memref_slice %arg5[%dma_start3A_139, %dma_start3A_143] : memref<25x128xi32, #tpu.memory_space<vmem>> -> memref<1x128xi32, #tpu.memory_space<vmem>>
      %dma_start3A_145 = tpu.memref_squeeze %dma_start3A_144 : memref<1x128xi32, #tpu.memory_space<vmem>> -> memref<128xi32, #tpu.memory_space<vmem>>
      %dma_start3A_146 = arith.constant 0 : i32
      %dma_start3A_147 = arith.constant 0 : i32
      %dma_start3A_148 = tpu.memref_slice %arg2[%dma_start3A_146, %dma_start3A_147] : memref<212992x16xf32, #tpu.memory_space<hbm>> -> memref<212992x16xf32, #tpu.memory_space<hbm>>
      tpu.enqueue_indirect_dma source(%dma_start3A_148 : memref<212992x16xf32, #tpu.memory_space<hbm>>) target(%dma_start3A_142 : memref<128x16xf32, #tpu.memory_space<vmem>>) offsets(%dma_start3A_145 : memref<128xi32, #tpu.memory_space<vmem>>) semaphore(%arg7 : memref<!tpu.dma_semaphore, #tpu.memory_space<semaphore_mem>>)
      %dma_start3A_149 = arith.constant 12 : i32
      %dma_start3A_150 = arith.constant 1536 : i32
      %dma_start3A_151 = arith.constant 0 : i32
      %dma_start3A_152 = tpu.memref_slice %arg6[%dma_start3A_150, %dma_start3A_151] : memref<3200x16xf32, #tpu.memory_space<vmem>> -> memref<128x16xf32, #tpu.memory_space<vmem>>
      %dma_start3A_153 = arith.constant 0 : i32
      %dma_start3A_154 = tpu.memref_slice %arg5[%dma_start3A_149, %dma_start3A_153] : memref<25x128xi32, #tpu.memory_space<vmem>> -> memref<1x128xi32, #tpu.memory_space<vmem>>
      %dma_start3A_155 = tpu.memref_squeeze %dma_start3A_154 : memref<1x128xi32, #tpu.memory_space<vmem>> -> memref<128xi32, #tpu.memory_space<vmem>>
      %dma_start3A_156 = arith.constant 0 : i32
      %dma_start3A_157 = arith.constant 0 : i32
      %dma_start3A_158 = tpu.memref_slice %arg2[%dma_start3A_156, %dma_start3A_157] : memref<212992x16xf32, #tpu.memory_space<hbm>> -> memref<212992x16xf32, #tpu.memory_space<hbm>>
      tpu.enqueue_indirect_dma source(%dma_start3A_158 : memref<212992x16xf32, #tpu.memory_space<hbm>>) target(%dma_start3A_152 : memref<128x16xf32, #tpu.memory_space<vmem>>) offsets(%dma_start3A_155 : memref<128xi32, #tpu.memory_space<vmem>>) semaphore(%arg7 : memref<!tpu.dma_semaphore, #tpu.memory_space<semaphore_mem>>)
      %dma_start3A_159 = arith.constant 13 : i32
      %dma_start3A_160 = arith.constant 1664 : i32
      %dma_start3A_161 = arith.constant 0 : i32
      %dma_start3A_162 = tpu.memref_slice %arg6[%dma_start3A_160, %dma_start3A_161] : memref<3200x16xf32, #tpu.memory_space<vmem>> -> memref<128x16xf32, #tpu.memory_space<vmem>>
      %dma_start3A_163 = arith.constant 0 : i32
      %dma_start3A_164 = tpu.memref_slice %arg5[%dma_start3A_159, %dma_start3A_163] : memref<25x128xi32, #tpu.memory_space<vmem>> -> memref<1x128xi32, #tpu.memory_space<vmem>>
      %dma_start3A_165 = tpu.memref_squeeze %dma_start3A_164 : memref<1x128xi32, #tpu.memory_space<vmem>> -> memref<128xi32, #tpu.memory_space<vmem>>
      %dma_start3A_166 = arith.constant 0 : i32
      %dma_start3A_167 = arith.constant 0 : i32
      %dma_start3A_168 = tpu.memref_slice %arg2[%dma_start3A_166, %dma_start3A_167] : memref<212992x16xf32, #tpu.memory_space<hbm>> -> memref<212992x16xf32, #tpu.memory_space<hbm>>
      tpu.enqueue_indirect_dma source(%dma_start3A_168 : memref<212992x16xf32, #tpu.memory_space<hbm>>) target(%dma_start3A_162 : memref<128x16xf32, #tpu.memory_space<vmem>>) offsets(%dma_start3A_165 : memref<128xi32, #tpu.memory_space<vmem>>) semaphore(%arg7 : memref<!tpu.dma_semaphore, #tpu.memory_space<semaphore_mem>>)
      %dma_start3A_169 = arith.constant 14 : i32
      %dma_start3A_170 = arith.constant 1792 : i32
      %dma_start3A_171 = arith.constant 0 : i32
      %dma_start3A_172 = tpu.memref_slice %arg6[%dma_start3A_170, %dma_start3A_171] : memref<3200x16xf32, #tpu.memory_space<vmem>> -> memref<128x16xf32, #tpu.memory_space<vmem>>
      %dma_start3A_173 = arith.constant 0 : i32
      %dma_start3A_174 = tpu.memref_slice %arg5[%dma_start3A_169, %dma_start3A_173] : memref<25x128xi32, #tpu.memory_space<vmem>> -> memref<1x128xi32, #tpu.memory_space<vmem>>
      %dma_start3A_175 = tpu.memref_squeeze %dma_start3A_174 : memref<1x128xi32, #tpu.memory_space<vmem>> -> memref<128xi32, #tpu.memory_space<vmem>>
      %dma_start3A_176 = arith.constant 0 : i32
      %dma_start3A_177 = arith.constant 0 : i32
      %dma_start3A_178 = tpu.memref_slice %arg2[%dma_start3A_176, %dma_start3A_177] : memref<212992x16xf32, #tpu.memory_space<hbm>> -> memref<212992x16xf32, #tpu.memory_space<hbm>>
      tpu.enqueue_indirect_dma source(%dma_start3A_178 : memref<212992x16xf32, #tpu.memory_space<hbm>>) target(%dma_start3A_172 : memref<128x16xf32, #tpu.memory_space<vmem>>) offsets(%dma_start3A_175 : memref<128xi32, #tpu.memory_space<vmem>>) semaphore(%arg7 : memref<!tpu.dma_semaphore, #tpu.memory_space<semaphore_mem>>)
      %dma_start3A_179 = arith.constant 15 : i32
      %dma_start3A_180 = arith.constant 1920 : i32
      %dma_start3A_181 = arith.constant 0 : i32
      %dma_start3A_182 = tpu.memref_slice %arg6[%dma_start3A_180, %dma_start3A_181] : memref<3200x16xf32, #tpu.memory_space<vmem>> -> memref<128x16xf32, #tpu.memory_space<vmem>>
      %dma_start3A_183 = arith.constant 0 : i32
      %dma_start3A_184 = tpu.memref_slice %arg5[%dma_start3A_179, %dma_start3A_183] : memref<25x128xi32, #tpu.memory_space<vmem>> -> memref<1x128xi32, #tpu.memory_space<vmem>>
      %dma_start3A_185 = tpu.memref_squeeze %dma_start3A_184 : memref<1x128xi32, #tpu.memory_space<vmem>> -> memref<128xi32, #tpu.memory_space<vmem>>
      %dma_start3A_186 = arith.constant 0 : i32
      %dma_start3A_187 = arith.constant 0 : i32
      %dma_start3A_188 = tpu.memref_slice %arg2[%dma_start3A_186, %dma_start3A_187] : memref<212992x16xf32, #tpu.memory_space<hbm>> -> memref<212992x16xf32, #tpu.memory_space<hbm>>
      tpu.enqueue_indirect_dma source(%dma_start3A_188 : memref<212992x16xf32, #tpu.memory_space<hbm>>) target(%dma_start3A_182 : memref<128x16xf32, #tpu.memory_space<vmem>>) offsets(%dma_start3A_185 : memref<128xi32, #tpu.memory_space<vmem>>) semaphore(%arg7 : memref<!tpu.dma_semaphore, #tpu.memory_space<semaphore_mem>>)
      %dma_start3A_189 = arith.constant 16 : i32
      %dma_start3A_190 = arith.constant 2048 : i32
      %dma_start3A_191 = arith.constant 0 : i32
      %dma_start3A_192 = tpu.memref_slice %arg6[%dma_start3A_190, %dma_start3A_191] : memref<3200x16xf32, #tpu.memory_space<vmem>> -> memref<128x16xf32, #tpu.memory_space<vmem>>
      %dma_start3A_193 = arith.constant 0 : i32
      %dma_start3A_194 = tpu.memref_slice %arg5[%dma_start3A_189, %dma_start3A_193] : memref<25x128xi32, #tpu.memory_space<vmem>> -> memref<1x128xi32, #tpu.memory_space<vmem>>
      %dma_start3A_195 = tpu.memref_squeeze %dma_start3A_194 : memref<1x128xi32, #tpu.memory_space<vmem>> -> memref<128xi32, #tpu.memory_space<vmem>>
      %dma_start3A_196 = arith.constant 0 : i32
      %dma_start3A_197 = arith.constant 0 : i32
      %dma_start3A_198 = tpu.memref_slice %arg2[%dma_start3A_196, %dma_start3A_197] : memref<212992x16xf32, #tpu.memory_space<hbm>> -> memref<212992x16xf32, #tpu.memory_space<hbm>>
      tpu.enqueue_indirect_dma source(%dma_start3A_198 : memref<212992x16xf32, #tpu.memory_space<hbm>>) target(%dma_start3A_192 : memref<128x16xf32, #tpu.memory_space<vmem>>) offsets(%dma_start3A_195 : memref<128xi32, #tpu.memory_space<vmem>>) semaphore(%arg7 : memref<!tpu.dma_semaphore, #tpu.memory_space<semaphore_mem>>)
      %dma_start3A_199 = arith.constant 17 : i32
      %dma_start3A_200 = arith.constant 2176 : i32
      %dma_start3A_201 = arith.constant 0 : i32
      %dma_start3A_202 = tpu.memref_slice %arg6[%dma_start3A_200, %dma_start3A_201] : memref<3200x16xf32, #tpu.memory_space<vmem>> -> memref<128x16xf32, #tpu.memory_space<vmem>>
      %dma_start3A_203 = arith.constant 0 : i32
      %dma_start3A_204 = tpu.memref_slice %arg5[%dma_start3A_199, %dma_start3A_203] : memref<25x128xi32, #tpu.memory_space<vmem>> -> memref<1x128xi32, #tpu.memory_space<vmem>>
      %dma_start3A_205 = tpu.memref_squeeze %dma_start3A_204 : memref<1x128xi32, #tpu.memory_space<vmem>> -> memref<128xi32, #tpu.memory_space<vmem>>
      %dma_start3A_206 = arith.constant 0 : i32
      %dma_start3A_207 = arith.constant 0 : i32
      %dma_start3A_208 = tpu.memref_slice %arg2[%dma_start3A_206, %dma_start3A_207] : memref<212992x16xf32, #tpu.memory_space<hbm>> -> memref<212992x16xf32, #tpu.memory_space<hbm>>
      tpu.enqueue_indirect_dma source(%dma_start3A_208 : memref<212992x16xf32, #tpu.memory_space<hbm>>) target(%dma_start3A_202 : memref<128x16xf32, #tpu.memory_space<vmem>>) offsets(%dma_start3A_205 : memref<128xi32, #tpu.memory_space<vmem>>) semaphore(%arg7 : memref<!tpu.dma_semaphore, #tpu.memory_space<semaphore_mem>>)
      %dma_start3A_209 = arith.constant 18 : i32
      %dma_start3A_210 = arith.constant 2304 : i32
      %dma_start3A_211 = arith.constant 0 : i32
      %dma_start3A_212 = tpu.memref_slice %arg6[%dma_start3A_210, %dma_start3A_211] : memref<3200x16xf32, #tpu.memory_space<vmem>> -> memref<128x16xf32, #tpu.memory_space<vmem>>
      %dma_start3A_213 = arith.constant 0 : i32
      %dma_start3A_214 = tpu.memref_slice %arg5[%dma_start3A_209, %dma_start3A_213] : memref<25x128xi32, #tpu.memory_space<vmem>> -> memref<1x128xi32, #tpu.memory_space<vmem>>
      %dma_start3A_215 = tpu.memref_squeeze %dma_start3A_214 : memref<1x128xi32, #tpu.memory_space<vmem>> -> memref<128xi32, #tpu.memory_space<vmem>>
      %dma_start3A_216 = arith.constant 0 : i32
      %dma_start3A_217 = arith.constant 0 : i32
      %dma_start3A_218 = tpu.memref_slice %arg2[%dma_start3A_216, %dma_start3A_217] : memref<212992x16xf32, #tpu.memory_space<hbm>> -> memref<212992x16xf32, #tpu.memory_space<hbm>>
      tpu.enqueue_indirect_dma source(%dma_start3A_218 : memref<212992x16xf32, #tpu.memory_space<hbm>>) target(%dma_start3A_212 : memref<128x16xf32, #tpu.memory_space<vmem>>) offsets(%dma_start3A_215 : memref<128xi32, #tpu.memory_space<vmem>>) semaphore(%arg7 : memref<!tpu.dma_semaphore, #tpu.memory_space<semaphore_mem>>)
      %dma_start3A_219 = arith.constant 19 : i32
      %dma_start3A_220 = arith.constant 2432 : i32
      %dma_start3A_221 = arith.constant 0 : i32
      %dma_start3A_222 = tpu.memref_slice %arg6[%dma_start3A_220, %dma_start3A_221] : memref<3200x16xf32, #tpu.memory_space<vmem>> -> memref<128x16xf32, #tpu.memory_space<vmem>>
      %dma_start3A_223 = arith.constant 0 : i32
      %dma_start3A_224 = tpu.memref_slice %arg5[%dma_start3A_219, %dma_start3A_223] : memref<25x128xi32, #tpu.memory_space<vmem>> -> memref<1x128xi32, #tpu.memory_space<vmem>>
      %dma_start3A_225 = tpu.memref_squeeze %dma_start3A_224 : memref<1x128xi32, #tpu.memory_space<vmem>> -> memref<128xi32, #tpu.memory_space<vmem>>
      %dma_start3A_226 = arith.constant 0 : i32
      %dma_start3A_227 = arith.constant 0 : i32
      %dma_start3A_228 = tpu.memref_slice %arg2[%dma_start3A_226, %dma_start3A_227] : memref<212992x16xf32, #tpu.memory_space<hbm>> -> memref<212992x16xf32, #tpu.memory_space<hbm>>
      tpu.enqueue_indirect_dma source(%dma_start3A_228 : memref<212992x16xf32, #tpu.memory_space<hbm>>) target(%dma_start3A_222 : memref<128x16xf32, #tpu.memory_space<vmem>>) offsets(%dma_start3A_225 : memref<128xi32, #tpu.memory_space<vmem>>) semaphore(%arg7 : memref<!tpu.dma_semaphore, #tpu.memory_space<semaphore_mem>>)
      %dma_start3A_229 = arith.constant 20 : i32
      %dma_start3A_230 = arith.constant 2560 : i32
      %dma_start3A_231 = arith.constant 0 : i32
      %dma_start3A_232 = tpu.memref_slice %arg6[%dma_start3A_230, %dma_start3A_231] : memref<3200x16xf32, #tpu.memory_space<vmem>> -> memref<128x16xf32, #tpu.memory_space<vmem>>
      %dma_start3A_233 = arith.constant 0 : i32
      %dma_start3A_234 = tpu.memref_slice %arg5[%dma_start3A_229, %dma_start3A_233] : memref<25x128xi32, #tpu.memory_space<vmem>> -> memref<1x128xi32, #tpu.memory_space<vmem>>
      %dma_start3A_235 = tpu.memref_squeeze %dma_start3A_234 : memref<1x128xi32, #tpu.memory_space<vmem>> -> memref<128xi32, #tpu.memory_space<vmem>>
      %dma_start3A_236 = arith.constant 0 : i32
      %dma_start3A_237 = arith.constant 0 : i32
      %dma_start3A_238 = tpu.memref_slice %arg2[%dma_start3A_236, %dma_start3A_237] : memref<212992x16xf32, #tpu.memory_space<hbm>> -> memref<212992x16xf32, #tpu.memory_space<hbm>>
      tpu.enqueue_indirect_dma source(%dma_start3A_238 : memref<212992x16xf32, #tpu.memory_space<hbm>>) target(%dma_start3A_232 : memref<128x16xf32, #tpu.memory_space<vmem>>) offsets(%dma_start3A_235 : memref<128xi32, #tpu.memory_space<vmem>>) semaphore(%arg7 : memref<!tpu.dma_semaphore, #tpu.memory_space<semaphore_mem>>)
      %dma_start3A_239 = arith.constant 21 : i32
      %dma_start3A_240 = arith.constant 2688 : i32
      %dma_start3A_241 = arith.constant 0 : i32
      %dma_start3A_242 = tpu.memref_slice %arg6[%dma_start3A_240, %dma_start3A_241] : memref<3200x16xf32, #tpu.memory_space<vmem>> -> memref<128x16xf32, #tpu.memory_space<vmem>>
      %dma_start3A_243 = arith.constant 0 : i32
      %dma_start3A_244 = tpu.memref_slice %arg5[%dma_start3A_239, %dma_start3A_243] : memref<25x128xi32, #tpu.memory_space<vmem>> -> memref<1x128xi32, #tpu.memory_space<vmem>>
      %dma_start3A_245 = tpu.memref_squeeze %dma_start3A_244 : memref<1x128xi32, #tpu.memory_space<vmem>> -> memref<128xi32, #tpu.memory_space<vmem>>
      %dma_start3A_246 = arith.constant 0 : i32
      %dma_start3A_247 = arith.constant 0 : i32
      %dma_start3A_248 = tpu.memref_slice %arg2[%dma_start3A_246, %dma_start3A_247] : memref<212992x16xf32, #tpu.memory_space<hbm>> -> memref<212992x16xf32, #tpu.memory_space<hbm>>
      tpu.enqueue_indirect_dma source(%dma_start3A_248 : memref<212992x16xf32, #tpu.memory_space<hbm>>) target(%dma_start3A_242 : memref<128x16xf32, #tpu.memory_space<vmem>>) offsets(%dma_start3A_245 : memref<128xi32, #tpu.memory_space<vmem>>) semaphore(%arg7 : memref<!tpu.dma_semaphore, #tpu.memory_space<semaphore_mem>>)
      %dma_start3A_249 = arith.constant 22 : i32
      %dma_start3A_250 = arith.constant 2816 : i32
      %dma_start3A_251 = arith.constant 0 : i32
      %dma_start3A_252 = tpu.memref_slice %arg6[%dma_start3A_250, %dma_start3A_251] : memref<3200x16xf32, #tpu.memory_space<vmem>> -> memref<128x16xf32, #tpu.memory_space<vmem>>
      %dma_start3A_253 = arith.constant 0 : i32
      %dma_start3A_254 = tpu.memref_slice %arg5[%dma_start3A_249, %dma_start3A_253] : memref<25x128xi32, #tpu.memory_space<vmem>> -> memref<1x128xi32, #tpu.memory_space<vmem>>
      %dma_start3A_255 = tpu.memref_squeeze %dma_start3A_254 : memref<1x128xi32, #tpu.memory_space<vmem>> -> memref<128xi32, #tpu.memory_space<vmem>>
      %dma_start3A_256 = arith.constant 0 : i32
      %dma_start3A_257 = arith.constant 0 : i32
      %dma_start3A_258 = tpu.memref_slice %arg2[%dma_start3A_256, %dma_start3A_257] : memref<212992x16xf32, #tpu.memory_space<hbm>> -> memref<212992x16xf32, #tpu.memory_space<hbm>>
      tpu.enqueue_indirect_dma source(%dma_start3A_258 : memref<212992x16xf32, #tpu.memory_space<hbm>>) target(%dma_start3A_252 : memref<128x16xf32, #tpu.memory_space<vmem>>) offsets(%dma_start3A_255 : memref<128xi32, #tpu.memory_space<vmem>>) semaphore(%arg7 : memref<!tpu.dma_semaphore, #tpu.memory_space<semaphore_mem>>)
      %dma_start3A_259 = arith.constant 23 : i32
      %dma_start3A_260 = arith.constant 2944 : i32
      %dma_start3A_261 = arith.constant 0 : i32
      %dma_start3A_262 = tpu.memref_slice %arg6[%dma_start3A_260, %dma_start3A_261] : memref<3200x16xf32, #tpu.memory_space<vmem>> -> memref<128x16xf32, #tpu.memory_space<vmem>>
      %dma_start3A_263 = arith.constant 0 : i32
      %dma_start3A_264 = tpu.memref_slice %arg5[%dma_start3A_259, %dma_start3A_263] : memref<25x128xi32, #tpu.memory_space<vmem>> -> memref<1x128xi32, #tpu.memory_space<vmem>>
      %dma_start3A_265 = tpu.memref_squeeze %dma_start3A_264 : memref<1x128xi32, #tpu.memory_space<vmem>> -> memref<128xi32, #tpu.memory_space<vmem>>
      %dma_start3A_266 = arith.constant 0 : i32
      %dma_start3A_267 = arith.constant 0 : i32
      %dma_start3A_268 = tpu.memref_slice %arg2[%dma_start3A_266, %dma_start3A_267] : memref<212992x16xf32, #tpu.memory_space<hbm>> -> memref<212992x16xf32, #tpu.memory_space<hbm>>
      tpu.enqueue_indirect_dma source(%dma_start3A_268 : memref<212992x16xf32, #tpu.memory_space<hbm>>) target(%dma_start3A_262 : memref<128x16xf32, #tpu.memory_space<vmem>>) offsets(%dma_start3A_265 : memref<128xi32, #tpu.memory_space<vmem>>) semaphore(%arg7 : memref<!tpu.dma_semaphore, #tpu.memory_space<semaphore_mem>>)
      %dma_start3A_269 = arith.constant 24 : i32
      %dma_start3A_270 = arith.constant 3072 : i32
      %dma_start3A_271 = arith.constant 0 : i32
      %dma_start3A_272 = tpu.memref_slice %arg6[%dma_start3A_270, %dma_start3A_271] : memref<3200x16xf32, #tpu.memory_space<vmem>> -> memref<128x16xf32, #tpu.memory_space<vmem>>
      %dma_start3A_273 = arith.constant 0 : i32
      %dma_start3A_274 = tpu.memref_slice %arg5[%dma_start3A_269, %dma_start3A_273] : memref<25x128xi32, #tpu.memory_space<vmem>> -> memref<1x128xi32, #tpu.memory_space<vmem>>
      %dma_start3A_275 = tpu.memref_squeeze %dma_start3A_274 : memref<1x128xi32, #tpu.memory_space<vmem>> -> memref<128xi32, #tpu.memory_space<vmem>>
      %dma_start3A_276 = arith.constant 0 : i32
      %dma_start3A_277 = arith.constant 0 : i32
      %dma_start3A_278 = tpu.memref_slice %arg2[%dma_start3A_276, %dma_start3A_277] : memref<212992x16xf32, #tpu.memory_space<hbm>> -> memref<212992x16xf32, #tpu.memory_space<hbm>>
      tpu.enqueue_indirect_dma source(%dma_start3A_278 : memref<212992x16xf32, #tpu.memory_space<hbm>>) target(%dma_start3A_272 : memref<128x16xf32, #tpu.memory_space<vmem>>) offsets(%dma_start3A_275 : memref<128xi32, #tpu.memory_space<vmem>>) semaphore(%arg7 : memref<!tpu.dma_semaphore, #tpu.memory_space<semaphore_mem>>)
      %dma_wait3A = arith.constant 0 : i32
      %dma_wait3A_279 = arith.constant 0 : i32
      %dma_wait3A_280 = arith.constant 0 : i32
      %dma_wait3A_281 = tpu.memref_slice %arg6[%dma_wait3A_279, %dma_wait3A_280] : memref<3200x16xf32, #tpu.memory_space<vmem>> -> memref<128x16xf32, #tpu.memory_space<vmem>>
      %dma_wait3A_282 = arith.constant 0 : i32
      %dma_wait3A_283 = tpu.memref_slice %arg5[%dma_wait3A, %dma_wait3A_282] : memref<25x128xi32, #tpu.memory_space<vmem>> -> memref<1x128xi32, #tpu.memory_space<vmem>>
      %dma_wait3A_284 = tpu.memref_squeeze %dma_wait3A_283 : memref<1x128xi32, #tpu.memory_space<vmem>> -> memref<128xi32, #tpu.memory_space<vmem>>
      %dma_wait3A_285 = arith.constant 0 : i32
      %dma_wait3A_286 = arith.constant 0 : i32
      %dma_wait3A_287 = tpu.memref_slice %arg2[%dma_wait3A_285, %dma_wait3A_286] : memref<212992x16xf32, #tpu.memory_space<hbm>> -> memref<212992x16xf32, #tpu.memory_space<hbm>>
      tpu.wait_indirect_dma semaphore(%arg7 : memref<!tpu.dma_semaphore, #tpu.memory_space<semaphore_mem>>) src(%dma_wait3A_287 : memref<212992x16xf32, #tpu.memory_space<hbm>>) dst(%dma_wait3A_281 : memref<128x16xf32, #tpu.memory_space<vmem>>)
      %dma_wait3A_288 = arith.constant 1 : i32
      %dma_wait3A_289 = arith.constant 128 : i32
      %dma_wait3A_290 = arith.constant 0 : i32
      %dma_wait3A_291 = tpu.memref_slice %arg6[%dma_wait3A_289, %dma_wait3A_290] : memref<3200x16xf32, #tpu.memory_space<vmem>> -> memref<128x16xf32, #tpu.memory_space<vmem>>
      %dma_wait3A_292 = arith.constant 0 : i32
      %dma_wait3A_293 = tpu.memref_slice %arg5[%dma_wait3A_288, %dma_wait3A_292] : memref<25x128xi32, #tpu.memory_space<vmem>> -> memref<1x128xi32, #tpu.memory_space<vmem>>
      %dma_wait3A_294 = tpu.memref_squeeze %dma_wait3A_293 : memref<1x128xi32, #tpu.memory_space<vmem>> -> memref<128xi32, #tpu.memory_space<vmem>>
      %dma_wait3A_295 = arith.constant 0 : i32
      %dma_wait3A_296 = arith.constant 0 : i32
      %dma_wait3A_297 = tpu.memref_slice %arg2[%dma_wait3A_295, %dma_wait3A_296] : memref<212992x16xf32, #tpu.memory_space<hbm>> -> memref<212992x16xf32, #tpu.memory_space<hbm>>
      tpu.wait_indirect_dma semaphore(%arg7 : memref<!tpu.dma_semaphore, #tpu.memory_space<semaphore_mem>>) src(%dma_wait3A_297 : memref<212992x16xf32, #tpu.memory_space<hbm>>) dst(%dma_wait3A_291 : memref<128x16xf32, #tpu.memory_space<vmem>>)
      %dma_wait3A_298 = arith.constant 2 : i32
      %dma_wait3A_299 = arith.constant 256 : i32
      %dma_wait3A_300 = arith.constant 0 : i32
      %dma_wait3A_301 = tpu.memref_slice %arg6[%dma_wait3A_299, %dma_wait3A_300] : memref<3200x16xf32, #tpu.memory_space<vmem>> -> memref<128x16xf32, #tpu.memory_space<vmem>>
      %dma_wait3A_302 = arith.constant 0 : i32
      %dma_wait3A_303 = tpu.memref_slice %arg5[%dma_wait3A_298, %dma_wait3A_302] : memref<25x128xi32, #tpu.memory_space<vmem>> -> memref<1x128xi32, #tpu.memory_space<vmem>>
      %dma_wait3A_304 = tpu.memref_squeeze %dma_wait3A_303 : memref<1x128xi32, #tpu.memory_space<vmem>> -> memref<128xi32, #tpu.memory_space<vmem>>
      %dma_wait3A_305 = arith.constant 0 : i32
      %dma_wait3A_306 = arith.constant 0 : i32
      %dma_wait3A_307 = tpu.memref_slice %arg2[%dma_wait3A_305, %dma_wait3A_306] : memref<212992x16xf32, #tpu.memory_space<hbm>> -> memref<212992x16xf32, #tpu.memory_space<hbm>>
      tpu.wait_indirect_dma semaphore(%arg7 : memref<!tpu.dma_semaphore, #tpu.memory_space<semaphore_mem>>) src(%dma_wait3A_307 : memref<212992x16xf32, #tpu.memory_space<hbm>>) dst(%dma_wait3A_301 : memref<128x16xf32, #tpu.memory_space<vmem>>)
      %dma_wait3A_308 = arith.constant 3 : i32
      %dma_wait3A_309 = arith.constant 384 : i32
      %dma_wait3A_310 = arith.constant 0 : i32
      %dma_wait3A_311 = tpu.memref_slice %arg6[%dma_wait3A_309, %dma_wait3A_310] : memref<3200x16xf32, #tpu.memory_space<vmem>> -> memref<128x16xf32, #tpu.memory_space<vmem>>
      %dma_wait3A_312 = arith.constant 0 : i32
      %dma_wait3A_313 = tpu.memref_slice %arg5[%dma_wait3A_308, %dma_wait3A_312] : memref<25x128xi32, #tpu.memory_space<vmem>> -> memref<1x128xi32, #tpu.memory_space<vmem>>
      %dma_wait3A_314 = tpu.memref_squeeze %dma_wait3A_313 : memref<1x128xi32, #tpu.memory_space<vmem>> -> memref<128xi32, #tpu.memory_space<vmem>>
      %dma_wait3A_315 = arith.constant 0 : i32
      %dma_wait3A_316 = arith.constant 0 : i32
      %dma_wait3A_317 = tpu.memref_slice %arg2[%dma_wait3A_315, %dma_wait3A_316] : memref<212992x16xf32, #tpu.memory_space<hbm>> -> memref<212992x16xf32, #tpu.memory_space<hbm>>
      tpu.wait_indirect_dma semaphore(%arg7 : memref<!tpu.dma_semaphore, #tpu.memory_space<semaphore_mem>>) src(%dma_wait3A_317 : memref<212992x16xf32, #tpu.memory_space<hbm>>) dst(%dma_wait3A_311 : memref<128x16xf32, #tpu.memory_space<vmem>>)
      %dma_wait3A_318 = arith.constant 4 : i32
      %dma_wait3A_319 = arith.constant 512 : i32
      %dma_wait3A_320 = arith.constant 0 : i32
      %dma_wait3A_321 = tpu.memref_slice %arg6[%dma_wait3A_319, %dma_wait3A_320] : memref<3200x16xf32, #tpu.memory_space<vmem>> -> memref<128x16xf32, #tpu.memory_space<vmem>>
      %dma_wait3A_322 = arith.constant 0 : i32
      %dma_wait3A_323 = tpu.memref_slice %arg5[%dma_wait3A_318, %dma_wait3A_322] : memref<25x128xi32, #tpu.memory_space<vmem>> -> memref<1x128xi32, #tpu.memory_space<vmem>>
      %dma_wait3A_324 = tpu.memref_squeeze %dma_wait3A_323 : memref<1x128xi32, #tpu.memory_space<vmem>> -> memref<128xi32, #tpu.memory_space<vmem>>
      %dma_wait3A_325 = arith.constant 0 : i32
      %dma_wait3A_326 = arith.constant 0 : i32
      %dma_wait3A_327 = tpu.memref_slice %arg2[%dma_wait3A_325, %dma_wait3A_326] : memref<212992x16xf32, #tpu.memory_space<hbm>> -> memref<212992x16xf32, #tpu.memory_space<hbm>>
      tpu.wait_indirect_dma semaphore(%arg7 : memref<!tpu.dma_semaphore, #tpu.memory_space<semaphore_mem>>) src(%dma_wait3A_327 : memref<212992x16xf32, #tpu.memory_space<hbm>>) dst(%dma_wait3A_321 : memref<128x16xf32, #tpu.memory_space<vmem>>)
      %dma_wait3A_328 = arith.constant 5 : i32
      %dma_wait3A_329 = arith.constant 640 : i32
      %dma_wait3A_330 = arith.constant 0 : i32
      %dma_wait3A_331 = tpu.memref_slice %arg6[%dma_wait3A_329, %dma_wait3A_330] : memref<3200x16xf32, #tpu.memory_space<vmem>> -> memref<128x16xf32, #tpu.memory_space<vmem>>
      %dma_wait3A_332 = arith.constant 0 : i32
      %dma_wait3A_333 = tpu.memref_slice %arg5[%dma_wait3A_328, %dma_wait3A_332] : memref<25x128xi32, #tpu.memory_space<vmem>> -> memref<1x128xi32, #tpu.memory_space<vmem>>
      %dma_wait3A_334 = tpu.memref_squeeze %dma_wait3A_333 : memref<1x128xi32, #tpu.memory_space<vmem>> -> memref<128xi32, #tpu.memory_space<vmem>>
      %dma_wait3A_335 = arith.constant 0 : i32
      %dma_wait3A_336 = arith.constant 0 : i32
      %dma_wait3A_337 = tpu.memref_slice %arg2[%dma_wait3A_335, %dma_wait3A_336] : memref<212992x16xf32, #tpu.memory_space<hbm>> -> memref<212992x16xf32, #tpu.memory_space<hbm>>
      tpu.wait_indirect_dma semaphore(%arg7 : memref<!tpu.dma_semaphore, #tpu.memory_space<semaphore_mem>>) src(%dma_wait3A_337 : memref<212992x16xf32, #tpu.memory_space<hbm>>) dst(%dma_wait3A_331 : memref<128x16xf32, #tpu.memory_space<vmem>>)
      %dma_wait3A_338 = arith.constant 6 : i32
      %dma_wait3A_339 = arith.constant 768 : i32
      %dma_wait3A_340 = arith.constant 0 : i32
      %dma_wait3A_341 = tpu.memref_slice %arg6[%dma_wait3A_339, %dma_wait3A_340] : memref<3200x16xf32, #tpu.memory_space<vmem>> -> memref<128x16xf32, #tpu.memory_space<vmem>>
      %dma_wait3A_342 = arith.constant 0 : i32
      %dma_wait3A_343 = tpu.memref_slice %arg5[%dma_wait3A_338, %dma_wait3A_342] : memref<25x128xi32, #tpu.memory_space<vmem>> -> memref<1x128xi32, #tpu.memory_space<vmem>>
      %dma_wait3A_344 = tpu.memref_squeeze %dma_wait3A_343 : memref<1x128xi32, #tpu.memory_space<vmem>> -> memref<128xi32, #tpu.memory_space<vmem>>
      %dma_wait3A_345 = arith.constant 0 : i32
      %dma_wait3A_346 = arith.constant 0 : i32
      %dma_wait3A_347 = tpu.memref_slice %arg2[%dma_wait3A_345, %dma_wait3A_346] : memref<212992x16xf32, #tpu.memory_space<hbm>> -> memref<212992x16xf32, #tpu.memory_space<hbm>>
      tpu.wait_indirect_dma semaphore(%arg7 : memref<!tpu.dma_semaphore, #tpu.memory_space<semaphore_mem>>) src(%dma_wait3A_347 : memref<212992x16xf32, #tpu.memory_space<hbm>>) dst(%dma_wait3A_341 : memref<128x16xf32, #tpu.memory_space<vmem>>)
      %dma_wait3A_348 = arith.constant 7 : i32
      %dma_wait3A_349 = arith.constant 896 : i32
      %dma_wait3A_350 = arith.constant 0 : i32
      %dma_wait3A_351 = tpu.memref_slice %arg6[%dma_wait3A_349, %dma_wait3A_350] : memref<3200x16xf32, #tpu.memory_space<vmem>> -> memref<128x16xf32, #tpu.memory_space<vmem>>
      %dma_wait3A_352 = arith.constant 0 : i32
      %dma_wait3A_353 = tpu.memref_slice %arg5[%dma_wait3A_348, %dma_wait3A_352] : memref<25x128xi32, #tpu.memory_space<vmem>> -> memref<1x128xi32, #tpu.memory_space<vmem>>
      %dma_wait3A_354 = tpu.memref_squeeze %dma_wait3A_353 : memref<1x128xi32, #tpu.memory_space<vmem>> -> memref<128xi32, #tpu.memory_space<vmem>>
      %dma_wait3A_355 = arith.constant 0 : i32
      %dma_wait3A_356 = arith.constant 0 : i32
      %dma_wait3A_357 = tpu.memref_slice %arg2[%dma_wait3A_355, %dma_wait3A_356] : memref<212992x16xf32, #tpu.memory_space<hbm>> -> memref<212992x16xf32, #tpu.memory_space<hbm>>
      tpu.wait_indirect_dma semaphore(%arg7 : memref<!tpu.dma_semaphore, #tpu.memory_space<semaphore_mem>>) src(%dma_wait3A_357 : memref<212992x16xf32, #tpu.memory_space<hbm>>) dst(%dma_wait3A_351 : memref<128x16xf32, #tpu.memory_space<vmem>>)
      %dma_wait3A_358 = arith.constant 8 : i32
      %dma_wait3A_359 = arith.constant 1024 : i32
      %dma_wait3A_360 = arith.constant 0 : i32
      %dma_wait3A_361 = tpu.memref_slice %arg6[%dma_wait3A_359, %dma_wait3A_360] : memref<3200x16xf32, #tpu.memory_space<vmem>> -> memref<128x16xf32, #tpu.memory_space<vmem>>
      %dma_wait3A_362 = arith.constant 0 : i32
      %dma_wait3A_363 = tpu.memref_slice %arg5[%dma_wait3A_358, %dma_wait3A_362] : memref<25x128xi32, #tpu.memory_space<vmem>> -> memref<1x128xi32, #tpu.memory_space<vmem>>
      %dma_wait3A_364 = tpu.memref_squeeze %dma_wait3A_363 : memref<1x128xi32, #tpu.memory_space<vmem>> -> memref<128xi32, #tpu.memory_space<vmem>>
      %dma_wait3A_365 = arith.constant 0 : i32
      %dma_wait3A_366 = arith.constant 0 : i32
      %dma_wait3A_367 = tpu.memref_slice %arg2[%dma_wait3A_365, %dma_wait3A_366] : memref<212992x16xf32, #tpu.memory_space<hbm>> -> memref<212992x16xf32, #tpu.memory_space<hbm>>
      tpu.wait_indirect_dma semaphore(%arg7 : memref<!tpu.dma_semaphore, #tpu.memory_space<semaphore_mem>>) src(%dma_wait3A_367 : memref<212992x16xf32, #tpu.memory_space<hbm>>) dst(%dma_wait3A_361 : memref<128x16xf32, #tpu.memory_space<vmem>>)
      %dma_wait3A_368 = arith.constant 9 : i32
      %dma_wait3A_369 = arith.constant 1152 : i32
      %dma_wait3A_370 = arith.constant 0 : i32
      %dma_wait3A_371 = tpu.memref_slice %arg6[%dma_wait3A_369, %dma_wait3A_370] : memref<3200x16xf32, #tpu.memory_space<vmem>> -> memref<128x16xf32, #tpu.memory_space<vmem>>
      %dma_wait3A_372 = arith.constant 0 : i32
      %dma_wait3A_373 = tpu.memref_slice %arg5[%dma_wait3A_368, %dma_wait3A_372] : memref<25x128xi32, #tpu.memory_space<vmem>> -> memref<1x128xi32, #tpu.memory_space<vmem>>
      %dma_wait3A_374 = tpu.memref_squeeze %dma_wait3A_373 : memref<1x128xi32, #tpu.memory_space<vmem>> -> memref<128xi32, #tpu.memory_space<vmem>>
      %dma_wait3A_375 = arith.constant 0 : i32
      %dma_wait3A_376 = arith.constant 0 : i32
      %dma_wait3A_377 = tpu.memref_slice %arg2[%dma_wait3A_375, %dma_wait3A_376] : memref<212992x16xf32, #tpu.memory_space<hbm>> -> memref<212992x16xf32, #tpu.memory_space<hbm>>
      tpu.wait_indirect_dma semaphore(%arg7 : memref<!tpu.dma_semaphore, #tpu.memory_space<semaphore_mem>>) src(%dma_wait3A_377 : memref<212992x16xf32, #tpu.memory_space<hbm>>) dst(%dma_wait3A_371 : memref<128x16xf32, #tpu.memory_space<vmem>>)
      %dma_wait3A_378 = arith.constant 10 : i32
      %dma_wait3A_379 = arith.constant 1280 : i32
      %dma_wait3A_380 = arith.constant 0 : i32
      %dma_wait3A_381 = tpu.memref_slice %arg6[%dma_wait3A_379, %dma_wait3A_380] : memref<3200x16xf32, #tpu.memory_space<vmem>> -> memref<128x16xf32, #tpu.memory_space<vmem>>
      %dma_wait3A_382 = arith.constant 0 : i32
      %dma_wait3A_383 = tpu.memref_slice %arg5[%dma_wait3A_378, %dma_wait3A_382] : memref<25x128xi32, #tpu.memory_space<vmem>> -> memref<1x128xi32, #tpu.memory_space<vmem>>
      %dma_wait3A_384 = tpu.memref_squeeze %dma_wait3A_383 : memref<1x128xi32, #tpu.memory_space<vmem>> -> memref<128xi32, #tpu.memory_space<vmem>>
      %dma_wait3A_385 = arith.constant 0 : i32
      %dma_wait3A_386 = arith.constant 0 : i32
      %dma_wait3A_387 = tpu.memref_slice %arg2[%dma_wait3A_385, %dma_wait3A_386] : memref<212992x16xf32, #tpu.memory_space<hbm>> -> memref<212992x16xf32, #tpu.memory_space<hbm>>
      tpu.wait_indirect_dma semaphore(%arg7 : memref<!tpu.dma_semaphore, #tpu.memory_space<semaphore_mem>>) src(%dma_wait3A_387 : memref<212992x16xf32, #tpu.memory_space<hbm>>) dst(%dma_wait3A_381 : memref<128x16xf32, #tpu.memory_space<vmem>>)
      %dma_wait3A_388 = arith.constant 11 : i32
      %dma_wait3A_389 = arith.constant 1408 : i32
      %dma_wait3A_390 = arith.constant 0 : i32
      %dma_wait3A_391 = tpu.memref_slice %arg6[%dma_wait3A_389, %dma_wait3A_390] : memref<3200x16xf32, #tpu.memory_space<vmem>> -> memref<128x16xf32, #tpu.memory_space<vmem>>
      %dma_wait3A_392 = arith.constant 0 : i32
      %dma_wait3A_393 = tpu.memref_slice %arg5[%dma_wait3A_388, %dma_wait3A_392] : memref<25x128xi32, #tpu.memory_space<vmem>> -> memref<1x128xi32, #tpu.memory_space<vmem>>
      %dma_wait3A_394 = tpu.memref_squeeze %dma_wait3A_393 : memref<1x128xi32, #tpu.memory_space<vmem>> -> memref<128xi32, #tpu.memory_space<vmem>>
      %dma_wait3A_395 = arith.constant 0 : i32
      %dma_wait3A_396 = arith.constant 0 : i32
      %dma_wait3A_397 = tpu.memref_slice %arg2[%dma_wait3A_395, %dma_wait3A_396] : memref<212992x16xf32, #tpu.memory_space<hbm>> -> memref<212992x16xf32, #tpu.memory_space<hbm>>
      tpu.wait_indirect_dma semaphore(%arg7 : memref<!tpu.dma_semaphore, #tpu.memory_space<semaphore_mem>>) src(%dma_wait3A_397 : memref<212992x16xf32, #tpu.memory_space<hbm>>) dst(%dma_wait3A_391 : memref<128x16xf32, #tpu.memory_space<vmem>>)
      %dma_wait3A_398 = arith.constant 12 : i32
      %dma_wait3A_399 = arith.constant 1536 : i32
      %dma_wait3A_400 = arith.constant 0 : i32
      %dma_wait3A_401 = tpu.memref_slice %arg6[%dma_wait3A_399, %dma_wait3A_400] : memref<3200x16xf32, #tpu.memory_space<vmem>> -> memref<128x16xf32, #tpu.memory_space<vmem>>
      %dma_wait3A_402 = arith.constant 0 : i32
      %dma_wait3A_403 = tpu.memref_slice %arg5[%dma_wait3A_398, %dma_wait3A_402] : memref<25x128xi32, #tpu.memory_space<vmem>> -> memref<1x128xi32, #tpu.memory_space<vmem>>
      %dma_wait3A_404 = tpu.memref_squeeze %dma_wait3A_403 : memref<1x128xi32, #tpu.memory_space<vmem>> -> memref<128xi32, #tpu.memory_space<vmem>>
      %dma_wait3A_405 = arith.constant 0 : i32
      %dma_wait3A_406 = arith.constant 0 : i32
      %dma_wait3A_407 = tpu.memref_slice %arg2[%dma_wait3A_405, %dma_wait3A_406] : memref<212992x16xf32, #tpu.memory_space<hbm>> -> memref<212992x16xf32, #tpu.memory_space<hbm>>
      tpu.wait_indirect_dma semaphore(%arg7 : memref<!tpu.dma_semaphore, #tpu.memory_space<semaphore_mem>>) src(%dma_wait3A_407 : memref<212992x16xf32, #tpu.memory_space<hbm>>) dst(%dma_wait3A_401 : memref<128x16xf32, #tpu.memory_space<vmem>>)
      %dma_wait3A_408 = arith.constant 13 : i32
      %dma_wait3A_409 = arith.constant 1664 : i32
      %dma_wait3A_410 = arith.constant 0 : i32
      %dma_wait3A_411 = tpu.memref_slice %arg6[%dma_wait3A_409, %dma_wait3A_410] : memref<3200x16xf32, #tpu.memory_space<vmem>> -> memref<128x16xf32, #tpu.memory_space<vmem>>
      %dma_wait3A_412 = arith.constant 0 : i32
      %dma_wait3A_413 = tpu.memref_slice %arg5[%dma_wait3A_408, %dma_wait3A_412] : memref<25x128xi32, #tpu.memory_space<vmem>> -> memref<1x128xi32, #tpu.memory_space<vmem>>
      %dma_wait3A_414 = tpu.memref_squeeze %dma_wait3A_413 : memref<1x128xi32, #tpu.memory_space<vmem>> -> memref<128xi32, #tpu.memory_space<vmem>>
      %dma_wait3A_415 = arith.constant 0 : i32
      %dma_wait3A_416 = arith.constant 0 : i32
      %dma_wait3A_417 = tpu.memref_slice %arg2[%dma_wait3A_415, %dma_wait3A_416] : memref<212992x16xf32, #tpu.memory_space<hbm>> -> memref<212992x16xf32, #tpu.memory_space<hbm>>
      tpu.wait_indirect_dma semaphore(%arg7 : memref<!tpu.dma_semaphore, #tpu.memory_space<semaphore_mem>>) src(%dma_wait3A_417 : memref<212992x16xf32, #tpu.memory_space<hbm>>) dst(%dma_wait3A_411 : memref<128x16xf32, #tpu.memory_space<vmem>>)
      %dma_wait3A_418 = arith.constant 14 : i32
      %dma_wait3A_419 = arith.constant 1792 : i32
      %dma_wait3A_420 = arith.constant 0 : i32
      %dma_wait3A_421 = tpu.memref_slice %arg6[%dma_wait3A_419, %dma_wait3A_420] : memref<3200x16xf32, #tpu.memory_space<vmem>> -> memref<128x16xf32, #tpu.memory_space<vmem>>
      %dma_wait3A_422 = arith.constant 0 : i32
      %dma_wait3A_423 = tpu.memref_slice %arg5[%dma_wait3A_418, %dma_wait3A_422] : memref<25x128xi32, #tpu.memory_space<vmem>> -> memref<1x128xi32, #tpu.memory_space<vmem>>
      %dma_wait3A_424 = tpu.memref_squeeze %dma_wait3A_423 : memref<1x128xi32, #tpu.memory_space<vmem>> -> memref<128xi32, #tpu.memory_space<vmem>>
      %dma_wait3A_425 = arith.constant 0 : i32
      %dma_wait3A_426 = arith.constant 0 : i32
      %dma_wait3A_427 = tpu.memref_slice %arg2[%dma_wait3A_425, %dma_wait3A_426] : memref<212992x16xf32, #tpu.memory_space<hbm>> -> memref<212992x16xf32, #tpu.memory_space<hbm>>
      tpu.wait_indirect_dma semaphore(%arg7 : memref<!tpu.dma_semaphore, #tpu.memory_space<semaphore_mem>>) src(%dma_wait3A_427 : memref<212992x16xf32, #tpu.memory_space<hbm>>) dst(%dma_wait3A_421 : memref<128x16xf32, #tpu.memory_space<vmem>>)
      %dma_wait3A_428 = arith.constant 15 : i32
      %dma_wait3A_429 = arith.constant 1920 : i32
      %dma_wait3A_430 = arith.constant 0 : i32
      %dma_wait3A_431 = tpu.memref_slice %arg6[%dma_wait3A_429, %dma_wait3A_430] : memref<3200x16xf32, #tpu.memory_space<vmem>> -> memref<128x16xf32, #tpu.memory_space<vmem>>
      %dma_wait3A_432 = arith.constant 0 : i32
      %dma_wait3A_433 = tpu.memref_slice %arg5[%dma_wait3A_428, %dma_wait3A_432] : memref<25x128xi32, #tpu.memory_space<vmem>> -> memref<1x128xi32, #tpu.memory_space<vmem>>
      %dma_wait3A_434 = tpu.memref_squeeze %dma_wait3A_433 : memref<1x128xi32, #tpu.memory_space<vmem>> -> memref<128xi32, #tpu.memory_space<vmem>>
      %dma_wait3A_435 = arith.constant 0 : i32
      %dma_wait3A_436 = arith.constant 0 : i32
      %dma_wait3A_437 = tpu.memref_slice %arg2[%dma_wait3A_435, %dma_wait3A_436] : memref<212992x16xf32, #tpu.memory_space<hbm>> -> memref<212992x16xf32, #tpu.memory_space<hbm>>
      tpu.wait_indirect_dma semaphore(%arg7 : memref<!tpu.dma_semaphore, #tpu.memory_space<semaphore_mem>>) src(%dma_wait3A_437 : memref<212992x16xf32, #tpu.memory_space<hbm>>) dst(%dma_wait3A_431 : memref<128x16xf32, #tpu.memory_space<vmem>>)
      %dma_wait3A_438 = arith.constant 16 : i32
      %dma_wait3A_439 = arith.constant 2048 : i32
      %dma_wait3A_440 = arith.constant 0 : i32
      %dma_wait3A_441 = tpu.memref_slice %arg6[%dma_wait3A_439, %dma_wait3A_440] : memref<3200x16xf32, #tpu.memory_space<vmem>> -> memref<128x16xf32, #tpu.memory_space<vmem>>
      %dma_wait3A_442 = arith.constant 0 : i32
      %dma_wait3A_443 = tpu.memref_slice %arg5[%dma_wait3A_438, %dma_wait3A_442] : memref<25x128xi32, #tpu.memory_space<vmem>> -> memref<1x128xi32, #tpu.memory_space<vmem>>
      %dma_wait3A_444 = tpu.memref_squeeze %dma_wait3A_443 : memref<1x128xi32, #tpu.memory_space<vmem>> -> memref<128xi32, #tpu.memory_space<vmem>>
      %dma_wait3A_445 = arith.constant 0 : i32
      %dma_wait3A_446 = arith.constant 0 : i32
      %dma_wait3A_447 = tpu.memref_slice %arg2[%dma_wait3A_445, %dma_wait3A_446] : memref<212992x16xf32, #tpu.memory_space<hbm>> -> memref<212992x16xf32, #tpu.memory_space<hbm>>
      tpu.wait_indirect_dma semaphore(%arg7 : memref<!tpu.dma_semaphore, #tpu.memory_space<semaphore_mem>>) src(%dma_wait3A_447 : memref<212992x16xf32, #tpu.memory_space<hbm>>) dst(%dma_wait3A_441 : memref<128x16xf32, #tpu.memory_space<vmem>>)
      %dma_wait3A_448 = arith.constant 17 : i32
      %dma_wait3A_449 = arith.constant 2176 : i32
      %dma_wait3A_450 = arith.constant 0 : i32
      %dma_wait3A_451 = tpu.memref_slice %arg6[%dma_wait3A_449, %dma_wait3A_450] : memref<3200x16xf32, #tpu.memory_space<vmem>> -> memref<128x16xf32, #tpu.memory_space<vmem>>
      %dma_wait3A_452 = arith.constant 0 : i32
      %dma_wait3A_453 = tpu.memref_slice %arg5[%dma_wait3A_448, %dma_wait3A_452] : memref<25x128xi32, #tpu.memory_space<vmem>> -> memref<1x128xi32, #tpu.memory_space<vmem>>
      %dma_wait3A_454 = tpu.memref_squeeze %dma_wait3A_453 : memref<1x128xi32, #tpu.memory_space<vmem>> -> memref<128xi32, #tpu.memory_space<vmem>>
      %dma_wait3A_455 = arith.constant 0 : i32
      %dma_wait3A_456 = arith.constant 0 : i32
      %dma_wait3A_457 = tpu.memref_slice %arg2[%dma_wait3A_455, %dma_wait3A_456] : memref<212992x16xf32, #tpu.memory_space<hbm>> -> memref<212992x16xf32, #tpu.memory_space<hbm>>
      tpu.wait_indirect_dma semaphore(%arg7 : memref<!tpu.dma_semaphore, #tpu.memory_space<semaphore_mem>>) src(%dma_wait3A_457 : memref<212992x16xf32, #tpu.memory_space<hbm>>) dst(%dma_wait3A_451 : memref<128x16xf32, #tpu.memory_space<vmem>>)
      %dma_wait3A_458 = arith.constant 18 : i32
      %dma_wait3A_459 = arith.constant 2304 : i32
      %dma_wait3A_460 = arith.constant 0 : i32
      %dma_wait3A_461 = tpu.memref_slice %arg6[%dma_wait3A_459, %dma_wait3A_460] : memref<3200x16xf32, #tpu.memory_space<vmem>> -> memref<128x16xf32, #tpu.memory_space<vmem>>
      %dma_wait3A_462 = arith.constant 0 : i32
      %dma_wait3A_463 = tpu.memref_slice %arg5[%dma_wait3A_458, %dma_wait3A_462] : memref<25x128xi32, #tpu.memory_space<vmem>> -> memref<1x128xi32, #tpu.memory_space<vmem>>
      %dma_wait3A_464 = tpu.memref_squeeze %dma_wait3A_463 : memref<1x128xi32, #tpu.memory_space<vmem>> -> memref<128xi32, #tpu.memory_space<vmem>>
      %dma_wait3A_465 = arith.constant 0 : i32
      %dma_wait3A_466 = arith.constant 0 : i32
      %dma_wait3A_467 = tpu.memref_slice %arg2[%dma_wait3A_465, %dma_wait3A_466] : memref<212992x16xf32, #tpu.memory_space<hbm>> -> memref<212992x16xf32, #tpu.memory_space<hbm>>
      tpu.wait_indirect_dma semaphore(%arg7 : memref<!tpu.dma_semaphore, #tpu.memory_space<semaphore_mem>>) src(%dma_wait3A_467 : memref<212992x16xf32, #tpu.memory_space<hbm>>) dst(%dma_wait3A_461 : memref<128x16xf32, #tpu.memory_space<vmem>>)
      %dma_wait3A_468 = arith.constant 19 : i32
      %dma_wait3A_469 = arith.constant 2432 : i32
      %dma_wait3A_470 = arith.constant 0 : i32
      %dma_wait3A_471 = tpu.memref_slice %arg6[%dma_wait3A_469, %dma_wait3A_470] : memref<3200x16xf32, #tpu.memory_space<vmem>> -> memref<128x16xf32, #tpu.memory_space<vmem>>
      %dma_wait3A_472 = arith.constant 0 : i32
      %dma_wait3A_473 = tpu.memref_slice %arg5[%dma_wait3A_468, %dma_wait3A_472] : memref<25x128xi32, #tpu.memory_space<vmem>> -> memref<1x128xi32, #tpu.memory_space<vmem>>
      %dma_wait3A_474 = tpu.memref_squeeze %dma_wait3A_473 : memref<1x128xi32, #tpu.memory_space<vmem>> -> memref<128xi32, #tpu.memory_space<vmem>>
      %dma_wait3A_475 = arith.constant 0 : i32
      %dma_wait3A_476 = arith.constant 0 : i32
      %dma_wait3A_477 = tpu.memref_slice %arg2[%dma_wait3A_475, %dma_wait3A_476] : memref<212992x16xf32, #tpu.memory_space<hbm>> -> memref<212992x16xf32, #tpu.memory_space<hbm>>
      tpu.wait_indirect_dma semaphore(%arg7 : memref<!tpu.dma_semaphore, #tpu.memory_space<semaphore_mem>>) src(%dma_wait3A_477 : memref<212992x16xf32, #tpu.memory_space<hbm>>) dst(%dma_wait3A_471 : memref<128x16xf32, #tpu.memory_space<vmem>>)
      %dma_wait3A_478 = arith.constant 20 : i32
      %dma_wait3A_479 = arith.constant 2560 : i32
      %dma_wait3A_480 = arith.constant 0 : i32
      %dma_wait3A_481 = tpu.memref_slice %arg6[%dma_wait3A_479, %dma_wait3A_480] : memref<3200x16xf32, #tpu.memory_space<vmem>> -> memref<128x16xf32, #tpu.memory_space<vmem>>
      %dma_wait3A_482 = arith.constant 0 : i32
      %dma_wait3A_483 = tpu.memref_slice %arg5[%dma_wait3A_478, %dma_wait3A_482] : memref<25x128xi32, #tpu.memory_space<vmem>> -> memref<1x128xi32, #tpu.memory_space<vmem>>
      %dma_wait3A_484 = tpu.memref_squeeze %dma_wait3A_483 : memref<1x128xi32, #tpu.memory_space<vmem>> -> memref<128xi32, #tpu.memory_space<vmem>>
      %dma_wait3A_485 = arith.constant 0 : i32
      %dma_wait3A_486 = arith.constant 0 : i32
      %dma_wait3A_487 = tpu.memref_slice %arg2[%dma_wait3A_485, %dma_wait3A_486] : memref<212992x16xf32, #tpu.memory_space<hbm>> -> memref<212992x16xf32, #tpu.memory_space<hbm>>
      tpu.wait_indirect_dma semaphore(%arg7 : memref<!tpu.dma_semaphore, #tpu.memory_space<semaphore_mem>>) src(%dma_wait3A_487 : memref<212992x16xf32, #tpu.memory_space<hbm>>) dst(%dma_wait3A_481 : memref<128x16xf32, #tpu.memory_space<vmem>>)
      %dma_wait3A_488 = arith.constant 21 : i32
      %dma_wait3A_489 = arith.constant 2688 : i32
      %dma_wait3A_490 = arith.constant 0 : i32
      %dma_wait3A_491 = tpu.memref_slice %arg6[%dma_wait3A_489, %dma_wait3A_490] : memref<3200x16xf32, #tpu.memory_space<vmem>> -> memref<128x16xf32, #tpu.memory_space<vmem>>
      %dma_wait3A_492 = arith.constant 0 : i32
      %dma_wait3A_493 = tpu.memref_slice %arg5[%dma_wait3A_488, %dma_wait3A_492] : memref<25x128xi32, #tpu.memory_space<vmem>> -> memref<1x128xi32, #tpu.memory_space<vmem>>
      %dma_wait3A_494 = tpu.memref_squeeze %dma_wait3A_493 : memref<1x128xi32, #tpu.memory_space<vmem>> -> memref<128xi32, #tpu.memory_space<vmem>>
      %dma_wait3A_495 = arith.constant 0 : i32
      %dma_wait3A_496 = arith.constant 0 : i32
      %dma_wait3A_497 = tpu.memref_slice %arg2[%dma_wait3A_495, %dma_wait3A_496] : memref<212992x16xf32, #tpu.memory_space<hbm>> -> memref<212992x16xf32, #tpu.memory_space<hbm>>
      tpu.wait_indirect_dma semaphore(%arg7 : memref<!tpu.dma_semaphore, #tpu.memory_space<semaphore_mem>>) src(%dma_wait3A_497 : memref<212992x16xf32, #tpu.memory_space<hbm>>) dst(%dma_wait3A_491 : memref<128x16xf32, #tpu.memory_space<vmem>>)
      %dma_wait3A_498 = arith.constant 22 : i32
      %dma_wait3A_499 = arith.constant 2816 : i32
      %dma_wait3A_500 = arith.constant 0 : i32
      %dma_wait3A_501 = tpu.memref_slice %arg6[%dma_wait3A_499, %dma_wait3A_500] : memref<3200x16xf32, #tpu.memory_space<vmem>> -> memref<128x16xf32, #tpu.memory_space<vmem>>
      %dma_wait3A_502 = arith.constant 0 : i32
      %dma_wait3A_503 = tpu.memref_slice %arg5[%dma_wait3A_498, %dma_wait3A_502] : memref<25x128xi32, #tpu.memory_space<vmem>> -> memref<1x128xi32, #tpu.memory_space<vmem>>
      %dma_wait3A_504 = tpu.memref_squeeze %dma_wait3A_503 : memref<1x128xi32, #tpu.memory_space<vmem>> -> memref<128xi32, #tpu.memory_space<vmem>>
      %dma_wait3A_505 = arith.constant 0 : i32
      %dma_wait3A_506 = arith.constant 0 : i32
      %dma_wait3A_507 = tpu.memref_slice %arg2[%dma_wait3A_505, %dma_wait3A_506] : memref<212992x16xf32, #tpu.memory_space<hbm>> -> memref<212992x16xf32, #tpu.memory_space<hbm>>
      tpu.wait_indirect_dma semaphore(%arg7 : memref<!tpu.dma_semaphore, #tpu.memory_space<semaphore_mem>>) src(%dma_wait3A_507 : memref<212992x16xf32, #tpu.memory_space<hbm>>) dst(%dma_wait3A_501 : memref<128x16xf32, #tpu.memory_space<vmem>>)
      %dma_wait3A_508 = arith.constant 23 : i32
      %dma_wait3A_509 = arith.constant 2944 : i32
      %dma_wait3A_510 = arith.constant 0 : i32
      %dma_wait3A_511 = tpu.memref_slice %arg6[%dma_wait3A_509, %dma_wait3A_510] : memref<3200x16xf32, #tpu.memory_space<vmem>> -> memref<128x16xf32, #tpu.memory_space<vmem>>
      %dma_wait3A_512 = arith.constant 0 : i32
      %dma_wait3A_513 = tpu.memref_slice %arg5[%dma_wait3A_508, %dma_wait3A_512] : memref<25x128xi32, #tpu.memory_space<vmem>> -> memref<1x128xi32, #tpu.memory_space<vmem>>
      %dma_wait3A_514 = tpu.memref_squeeze %dma_wait3A_513 : memref<1x128xi32, #tpu.memory_space<vmem>> -> memref<128xi32, #tpu.memory_space<vmem>>
      %dma_wait3A_515 = arith.constant 0 : i32
      %dma_wait3A_516 = arith.constant 0 : i32
      %dma_wait3A_517 = tpu.memref_slice %arg2[%dma_wait3A_515, %dma_wait3A_516] : memref<212992x16xf32, #tpu.memory_space<hbm>> -> memref<212992x16xf32, #tpu.memory_space<hbm>>
      tpu.wait_indirect_dma semaphore(%arg7 : memref<!tpu.dma_semaphore, #tpu.memory_space<semaphore_mem>>) src(%dma_wait3A_517 : memref<212992x16xf32, #tpu.memory_space<hbm>>) dst(%dma_wait3A_511 : memref<128x16xf32, #tpu.memory_space<vmem>>)
      %dma_wait3A_518 = arith.constant 24 : i32
      %dma_wait3A_519 = arith.constant 3072 : i32
      %dma_wait3A_520 = arith.constant 0 : i32
      %dma_wait3A_521 = tpu.memref_slice %arg6[%dma_wait3A_519, %dma_wait3A_520] : memref<3200x16xf32, #tpu.memory_space<vmem>> -> memref<128x16xf32, #tpu.memory_space<vmem>>
      %dma_wait3A_522 = arith.constant 0 : i32
      %dma_wait3A_523 = tpu.memref_slice %arg5[%dma_wait3A_518, %dma_wait3A_522] : memref<25x128xi32, #tpu.memory_space<vmem>> -> memref<1x128xi32, #tpu.memory_space<vmem>>
      %dma_wait3A_524 = tpu.memref_squeeze %dma_wait3A_523 : memref<1x128xi32, #tpu.memory_space<vmem>> -> memref<128xi32, #tpu.memory_space<vmem>>
      %dma_wait3A_525 = arith.constant 0 : i32
      %dma_wait3A_526 = arith.constant 0 : i32
      %dma_wait3A_527 = tpu.memref_slice %arg2[%dma_wait3A_525, %dma_wait3A_526] : memref<212992x16xf32, #tpu.memory_space<hbm>> -> memref<212992x16xf32, #tpu.memory_space<hbm>>
      tpu.wait_indirect_dma semaphore(%arg7 : memref<!tpu.dma_semaphore, #tpu.memory_space<semaphore_mem>>) src(%dma_wait3A_527 : memref<212992x16xf32, #tpu.memory_space<hbm>>) dst(%dma_wait3A_521 : memref<128x16xf32, #tpu.memory_space<vmem>>)
      %add3A_528 = arith.constant 0 : i32
      %add3A_529 = arith.addi %add3A_11, %add3A_528 : i32
      %dma_start3A_530 = arith.constant 0 : i32
      %dma_start3A_531 = arith.constant 0 : i32
      %dma_start3A_532 = tpu.memref_slice %arg6[%dma_start3A_530, %dma_start3A_531] : memref<3200x16xf32, #tpu.memory_space<vmem>> -> memref<200x16xf32, #tpu.memory_space<vmem>>
      %dma_start3A_533 = arith.constant 0 : i32
      %dma_start3A_534 = arith.constant 0 : i32
      %dma_start3A_535 = tpu.memref_slice %arg4[%add3A_529, %dma_start3A_533, %dma_start3A_534] : memref<16384x200x16xf32, #tpu.memory_space<hbm>> -> memref<1x200x16xf32, #tpu.memory_space<hbm>>
      %dma_start3A_536 = tpu.memref_squeeze %dma_start3A_535 : memref<1x200x16xf32, #tpu.memory_space<hbm>> -> memref<200x16xf32, #tpu.memory_space<hbm>>
      %dma_start3A_537 = arith.constant 0 : i32
      %dma_start3A_538 = arith.constant 0 : i32
      %dma_start3A_539 = tpu.memref_slice %arg4[%add3A_529, %dma_start3A_537, %dma_start3A_538] : memref<16384x200x16xf32, #tpu.memory_space<hbm>> -> memref<1x200x16xf32, #tpu.memory_space<hbm>>
      %dma_start3A_540 = tpu.memref_squeeze %dma_start3A_539 : memref<1x200x16xf32, #tpu.memory_space<hbm>> -> memref<200x16xf32, #tpu.memory_space<hbm>>
      %dma_start3A_541 = arith.constant 0 : i32
      %dma_start3A_542 = arith.constant 0 : i32
      %dma_start3A_543 = tpu.memref_slice %arg6[%dma_start3A_541, %dma_start3A_542] : memref<3200x16xf32, #tpu.memory_space<vmem>> -> memref<200x16xf32, #tpu.memory_space<vmem>>
      tpu.enqueue_dma source(%dma_start3A_543 : memref<200x16xf32, #tpu.memory_space<vmem>>) target(%dma_start3A_540 : memref<200x16xf32, #tpu.memory_space<hbm>>) target_semaphore(%arg8 : memref<!tpu.dma_semaphore, #tpu.memory_space<semaphore_mem>>)
      %add3A_544 = arith.constant 1 : i32
      %add3A_545 = arith.addi %add3A_11, %add3A_544 : i32
      %dma_start3A_546 = arith.constant 200 : i32
      %dma_start3A_547 = arith.constant 0 : i32
      %dma_start3A_548 = tpu.memref_slice %arg6[%dma_start3A_546, %dma_start3A_547] : memref<3200x16xf32, #tpu.memory_space<vmem>> -> memref<200x16xf32, #tpu.memory_space<vmem>>
      %dma_start3A_549 = arith.constant 0 : i32
      %dma_start3A_550 = arith.constant 0 : i32
      %dma_start3A_551 = tpu.memref_slice %arg4[%add3A_545, %dma_start3A_549, %dma_start3A_550] : memref<16384x200x16xf32, #tpu.memory_space<hbm>> -> memref<1x200x16xf32, #tpu.memory_space<hbm>>
      %dma_start3A_552 = tpu.memref_squeeze %dma_start3A_551 : memref<1x200x16xf32, #tpu.memory_space<hbm>> -> memref<200x16xf32, #tpu.memory_space<hbm>>
      %dma_start3A_553 = arith.constant 0 : i32
      %dma_start3A_554 = arith.constant 0 : i32
      %dma_start3A_555 = tpu.memref_slice %arg4[%add3A_545, %dma_start3A_553, %dma_start3A_554] : memref<16384x200x16xf32, #tpu.memory_space<hbm>> -> memref<1x200x16xf32, #tpu.memory_space<hbm>>
      %dma_start3A_556 = tpu.memref_squeeze %dma_start3A_555 : memref<1x200x16xf32, #tpu.memory_space<hbm>> -> memref<200x16xf32, #tpu.memory_space<hbm>>
      %dma_start3A_557 = arith.constant 200 : i32
      %dma_start3A_558 = arith.constant 0 : i32
      %dma_start3A_559 = tpu.memref_slice %arg6[%dma_start3A_557, %dma_start3A_558] : memref<3200x16xf32, #tpu.memory_space<vmem>> -> memref<200x16xf32, #tpu.memory_space<vmem>>
      tpu.enqueue_dma source(%dma_start3A_559 : memref<200x16xf32, #tpu.memory_space<vmem>>) target(%dma_start3A_556 : memref<200x16xf32, #tpu.memory_space<hbm>>) target_semaphore(%arg8 : memref<!tpu.dma_semaphore, #tpu.memory_space<semaphore_mem>>)
      %add3A_560 = arith.constant 2 : i32
      %add3A_561 = arith.addi %add3A_11, %add3A_560 : i32
      %dma_start3A_562 = arith.constant 400 : i32
      %dma_start3A_563 = arith.constant 0 : i32
      %dma_start3A_564 = tpu.memref_slice %arg6[%dma_start3A_562, %dma_start3A_563] : memref<3200x16xf32, #tpu.memory_space<vmem>> -> memref<200x16xf32, #tpu.memory_space<vmem>>
      %dma_start3A_565 = arith.constant 0 : i32
      %dma_start3A_566 = arith.constant 0 : i32
      %dma_start3A_567 = tpu.memref_slice %arg4[%add3A_561, %dma_start3A_565, %dma_start3A_566] : memref<16384x200x16xf32, #tpu.memory_space<hbm>> -> memref<1x200x16xf32, #tpu.memory_space<hbm>>
      %dma_start3A_568 = tpu.memref_squeeze %dma_start3A_567 : memref<1x200x16xf32, #tpu.memory_space<hbm>> -> memref<200x16xf32, #tpu.memory_space<hbm>>
      %dma_start3A_569 = arith.constant 0 : i32
      %dma_start3A_570 = arith.constant 0 : i32
      %dma_start3A_571 = tpu.memref_slice %arg4[%add3A_561, %dma_start3A_569, %dma_start3A_570] : memref<16384x200x16xf32, #tpu.memory_space<hbm>> -> memref<1x200x16xf32, #tpu.memory_space<hbm>>
      %dma_start3A_572 = tpu.memref_squeeze %dma_start3A_571 : memref<1x200x16xf32, #tpu.memory_space<hbm>> -> memref<200x16xf32, #tpu.memory_space<hbm>>
      %dma_start3A_573 = arith.constant 400 : i32
      %dma_start3A_574 = arith.constant 0 : i32
      %dma_start3A_575 = tpu.memref_slice %arg6[%dma_start3A_573, %dma_start3A_574] : memref<3200x16xf32, #tpu.memory_space<vmem>> -> memref<200x16xf32, #tpu.memory_space<vmem>>
      tpu.enqueue_dma source(%dma_start3A_575 : memref<200x16xf32, #tpu.memory_space<vmem>>) target(%dma_start3A_572 : memref<200x16xf32, #tpu.memory_space<hbm>>) target_semaphore(%arg8 : memref<!tpu.dma_semaphore, #tpu.memory_space<semaphore_mem>>)
      %add3A_576 = arith.constant 3 : i32
      %add3A_577 = arith.addi %add3A_11, %add3A_576 : i32
      %dma_start3A_578 = arith.constant 600 : i32
      %dma_start3A_579 = arith.constant 0 : i32
      %dma_start3A_580 = tpu.memref_slice %arg6[%dma_start3A_578, %dma_start3A_579] : memref<3200x16xf32, #tpu.memory_space<vmem>> -> memref<200x16xf32, #tpu.memory_space<vmem>>
      %dma_start3A_581 = arith.constant 0 : i32
      %dma_start3A_582 = arith.constant 0 : i32
      %dma_start3A_583 = tpu.memref_slice %arg4[%add3A_577, %dma_start3A_581, %dma_start3A_582] : memref<16384x200x16xf32, #tpu.memory_space<hbm>> -> memref<1x200x16xf32, #tpu.memory_space<hbm>>
      %dma_start3A_584 = tpu.memref_squeeze %dma_start3A_583 : memref<1x200x16xf32, #tpu.memory_space<hbm>> -> memref<200x16xf32, #tpu.memory_space<hbm>>
      %dma_start3A_585 = arith.constant 0 : i32
      %dma_start3A_586 = arith.constant 0 : i32
      %dma_start3A_587 = tpu.memref_slice %arg4[%add3A_577, %dma_start3A_585, %dma_start3A_586] : memref<16384x200x16xf32, #tpu.memory_space<hbm>> -> memref<1x200x16xf32, #tpu.memory_space<hbm>>
      %dma_start3A_588 = tpu.memref_squeeze %dma_start3A_587 : memref<1x200x16xf32, #tpu.memory_space<hbm>> -> memref<200x16xf32, #tpu.memory_space<hbm>>
      %dma_start3A_589 = arith.constant 600 : i32
      %dma_start3A_590 = arith.constant 0 : i32
      %dma_start3A_591 = tpu.memref_slice %arg6[%dma_start3A_589, %dma_start3A_590] : memref<3200x16xf32, #tpu.memory_space<vmem>> -> memref<200x16xf32, #tpu.memory_space<vmem>>
      tpu.enqueue_dma source(%dma_start3A_591 : memref<200x16xf32, #tpu.memory_space<vmem>>) target(%dma_start3A_588 : memref<200x16xf32, #tpu.memory_space<hbm>>) target_semaphore(%arg8 : memref<!tpu.dma_semaphore, #tpu.memory_space<semaphore_mem>>)
      %add3A_592 = arith.constant 4 : i32
      %add3A_593 = arith.addi %add3A_11, %add3A_592 : i32
      %dma_start3A_594 = arith.constant 800 : i32
      %dma_start3A_595 = arith.constant 0 : i32
      %dma_start3A_596 = tpu.memref_slice %arg6[%dma_start3A_594, %dma_start3A_595] : memref<3200x16xf32, #tpu.memory_space<vmem>> -> memref<200x16xf32, #tpu.memory_space<vmem>>
      %dma_start3A_597 = arith.constant 0 : i32
      %dma_start3A_598 = arith.constant 0 : i32
      %dma_start3A_599 = tpu.memref_slice %arg4[%add3A_593, %dma_start3A_597, %dma_start3A_598] : memref<16384x200x16xf32, #tpu.memory_space<hbm>> -> memref<1x200x16xf32, #tpu.memory_space<hbm>>
      %dma_start3A_600 = tpu.memref_squeeze %dma_start3A_599 : memref<1x200x16xf32, #tpu.memory_space<hbm>> -> memref<200x16xf32, #tpu.memory_space<hbm>>
      %dma_start3A_601 = arith.constant 0 : i32
      %dma_start3A_602 = arith.constant 0 : i32
      %dma_start3A_603 = tpu.memref_slice %arg4[%add3A_593, %dma_start3A_601, %dma_start3A_602] : memref<16384x200x16xf32, #tpu.memory_space<hbm>> -> memref<1x200x16xf32, #tpu.memory_space<hbm>>
      %dma_start3A_604 = tpu.memref_squeeze %dma_start3A_603 : memref<1x200x16xf32, #tpu.memory_space<hbm>> -> memref<200x16xf32, #tpu.memory_space<hbm>>
      %dma_start3A_605 = arith.constant 800 : i32
      %dma_start3A_606 = arith.constant 0 : i32
      %dma_start3A_607 = tpu.memref_slice %arg6[%dma_start3A_605, %dma_start3A_606] : memref<3200x16xf32, #tpu.memory_space<vmem>> -> memref<200x16xf32, #tpu.memory_space<vmem>>
      tpu.enqueue_dma source(%dma_start3A_607 : memref<200x16xf32, #tpu.memory_space<vmem>>) target(%dma_start3A_604 : memref<200x16xf32, #tpu.memory_space<hbm>>) target_semaphore(%arg8 : memref<!tpu.dma_semaphore, #tpu.memory_space<semaphore_mem>>)
      %add3A_608 = arith.constant 5 : i32
      %add3A_609 = arith.addi %add3A_11, %add3A_608 : i32
      %dma_start3A_610 = arith.constant 1000 : i32
      %dma_start3A_611 = arith.constant 0 : i32
      %dma_start3A_612 = tpu.memref_slice %arg6[%dma_start3A_610, %dma_start3A_611] : memref<3200x16xf32, #tpu.memory_space<vmem>> -> memref<200x16xf32, #tpu.memory_space<vmem>>
      %dma_start3A_613 = arith.constant 0 : i32
      %dma_start3A_614 = arith.constant 0 : i32
      %dma_start3A_615 = tpu.memref_slice %arg4[%add3A_609, %dma_start3A_613, %dma_start3A_614] : memref<16384x200x16xf32, #tpu.memory_space<hbm>> -> memref<1x200x16xf32, #tpu.memory_space<hbm>>
      %dma_start3A_616 = tpu.memref_squeeze %dma_start3A_615 : memref<1x200x16xf32, #tpu.memory_space<hbm>> -> memref<200x16xf32, #tpu.memory_space<hbm>>
      %dma_start3A_617 = arith.constant 0 : i32
      %dma_start3A_618 = arith.constant 0 : i32
      %dma_start3A_619 = tpu.memref_slice %arg4[%add3A_609, %dma_start3A_617, %dma_start3A_618] : memref<16384x200x16xf32, #tpu.memory_space<hbm>> -> memref<1x200x16xf32, #tpu.memory_space<hbm>>
      %dma_start3A_620 = tpu.memref_squeeze %dma_start3A_619 : memref<1x200x16xf32, #tpu.memory_space<hbm>> -> memref<200x16xf32, #tpu.memory_space<hbm>>
      %dma_start3A_621 = arith.constant 1000 : i32
      %dma_start3A_622 = arith.constant 0 : i32
      %dma_start3A_623 = tpu.memref_slice %arg6[%dma_start3A_621, %dma_start3A_622] : memref<3200x16xf32, #tpu.memory_space<vmem>> -> memref<200x16xf32, #tpu.memory_space<vmem>>
      tpu.enqueue_dma source(%dma_start3A_623 : memref<200x16xf32, #tpu.memory_space<vmem>>) target(%dma_start3A_620 : memref<200x16xf32, #tpu.memory_space<hbm>>) target_semaphore(%arg8 : memref<!tpu.dma_semaphore, #tpu.memory_space<semaphore_mem>>)
      %add3A_624 = arith.constant 6 : i32
      %add3A_625 = arith.addi %add3A_11, %add3A_624 : i32
      %dma_start3A_626 = arith.constant 1200 : i32
      %dma_start3A_627 = arith.constant 0 : i32
      %dma_start3A_628 = tpu.memref_slice %arg6[%dma_start3A_626, %dma_start3A_627] : memref<3200x16xf32, #tpu.memory_space<vmem>> -> memref<200x16xf32, #tpu.memory_space<vmem>>
      %dma_start3A_629 = arith.constant 0 : i32
      %dma_start3A_630 = arith.constant 0 : i32
      %dma_start3A_631 = tpu.memref_slice %arg4[%add3A_625, %dma_start3A_629, %dma_start3A_630] : memref<16384x200x16xf32, #tpu.memory_space<hbm>> -> memref<1x200x16xf32, #tpu.memory_space<hbm>>
      %dma_start3A_632 = tpu.memref_squeeze %dma_start3A_631 : memref<1x200x16xf32, #tpu.memory_space<hbm>> -> memref<200x16xf32, #tpu.memory_space<hbm>>
      %dma_start3A_633 = arith.constant 0 : i32
      %dma_start3A_634 = arith.constant 0 : i32
      %dma_start3A_635 = tpu.memref_slice %arg4[%add3A_625, %dma_start3A_633, %dma_start3A_634] : memref<16384x200x16xf32, #tpu.memory_space<hbm>> -> memref<1x200x16xf32, #tpu.memory_space<hbm>>
      %dma_start3A_636 = tpu.memref_squeeze %dma_start3A_635 : memref<1x200x16xf32, #tpu.memory_space<hbm>> -> memref<200x16xf32, #tpu.memory_space<hbm>>
      %dma_start3A_637 = arith.constant 1200 : i32
      %dma_start3A_638 = arith.constant 0 : i32
      %dma_start3A_639 = tpu.memref_slice %arg6[%dma_start3A_637, %dma_start3A_638] : memref<3200x16xf32, #tpu.memory_space<vmem>> -> memref<200x16xf32, #tpu.memory_space<vmem>>
      tpu.enqueue_dma source(%dma_start3A_639 : memref<200x16xf32, #tpu.memory_space<vmem>>) target(%dma_start3A_636 : memref<200x16xf32, #tpu.memory_space<hbm>>) target_semaphore(%arg8 : memref<!tpu.dma_semaphore, #tpu.memory_space<semaphore_mem>>)
      %add3A_640 = arith.constant 7 : i32
      %add3A_641 = arith.addi %add3A_11, %add3A_640 : i32
      %dma_start3A_642 = arith.constant 1400 : i32
      %dma_start3A_643 = arith.constant 0 : i32
      %dma_start3A_644 = tpu.memref_slice %arg6[%dma_start3A_642, %dma_start3A_643] : memref<3200x16xf32, #tpu.memory_space<vmem>> -> memref<200x16xf32, #tpu.memory_space<vmem>>
      %dma_start3A_645 = arith.constant 0 : i32
      %dma_start3A_646 = arith.constant 0 : i32
      %dma_start3A_647 = tpu.memref_slice %arg4[%add3A_641, %dma_start3A_645, %dma_start3A_646] : memref<16384x200x16xf32, #tpu.memory_space<hbm>> -> memref<1x200x16xf32, #tpu.memory_space<hbm>>
      %dma_start3A_648 = tpu.memref_squeeze %dma_start3A_647 : memref<1x200x16xf32, #tpu.memory_space<hbm>> -> memref<200x16xf32, #tpu.memory_space<hbm>>
      %dma_start3A_649 = arith.constant 0 : i32
      %dma_start3A_650 = arith.constant 0 : i32
      %dma_start3A_651 = tpu.memref_slice %arg4[%add3A_641, %dma_start3A_649, %dma_start3A_650] : memref<16384x200x16xf32, #tpu.memory_space<hbm>> -> memref<1x200x16xf32, #tpu.memory_space<hbm>>
      %dma_start3A_652 = tpu.memref_squeeze %dma_start3A_651 : memref<1x200x16xf32, #tpu.memory_space<hbm>> -> memref<200x16xf32, #tpu.memory_space<hbm>>
      %dma_start3A_653 = arith.constant 1400 : i32
      %dma_start3A_654 = arith.constant 0 : i32
      %dma_start3A_655 = tpu.memref_slice %arg6[%dma_start3A_653, %dma_start3A_654] : memref<3200x16xf32, #tpu.memory_space<vmem>> -> memref<200x16xf32, #tpu.memory_space<vmem>>
      tpu.enqueue_dma source(%dma_start3A_655 : memref<200x16xf32, #tpu.memory_space<vmem>>) target(%dma_start3A_652 : memref<200x16xf32, #tpu.memory_space<hbm>>) target_semaphore(%arg8 : memref<!tpu.dma_semaphore, #tpu.memory_space<semaphore_mem>>)
      %add3A_656 = arith.constant 8 : i32
      %add3A_657 = arith.addi %add3A_11, %add3A_656 : i32
      %dma_start3A_658 = arith.constant 1600 : i32
      %dma_start3A_659 = arith.constant 0 : i32
      %dma_start3A_660 = tpu.memref_slice %arg6[%dma_start3A_658, %dma_start3A_659] : memref<3200x16xf32, #tpu.memory_space<vmem>> -> memref<200x16xf32, #tpu.memory_space<vmem>>
      %dma_start3A_661 = arith.constant 0 : i32
      %dma_start3A_662 = arith.constant 0 : i32
      %dma_start3A_663 = tpu.memref_slice %arg4[%add3A_657, %dma_start3A_661, %dma_start3A_662] : memref<16384x200x16xf32, #tpu.memory_space<hbm>> -> memref<1x200x16xf32, #tpu.memory_space<hbm>>
      %dma_start3A_664 = tpu.memref_squeeze %dma_start3A_663 : memref<1x200x16xf32, #tpu.memory_space<hbm>> -> memref<200x16xf32, #tpu.memory_space<hbm>>
      %dma_start3A_665 = arith.constant 0 : i32
      %dma_start3A_666 = arith.constant 0 : i32
      %dma_start3A_667 = tpu.memref_slice %arg4[%add3A_657, %dma_start3A_665, %dma_start3A_666] : memref<16384x200x16xf32, #tpu.memory_space<hbm>> -> memref<1x200x16xf32, #tpu.memory_space<hbm>>
      %dma_start3A_668 = tpu.memref_squeeze %dma_start3A_667 : memref<1x200x16xf32, #tpu.memory_space<hbm>> -> memref<200x16xf32, #tpu.memory_space<hbm>>
      %dma_start3A_669 = arith.constant 1600 : i32
      %dma_start3A_670 = arith.constant 0 : i32
      %dma_start3A_671 = tpu.memref_slice %arg6[%dma_start3A_669, %dma_start3A_670] : memref<3200x16xf32, #tpu.memory_space<vmem>> -> memref<200x16xf32, #tpu.memory_space<vmem>>
      tpu.enqueue_dma source(%dma_start3A_671 : memref<200x16xf32, #tpu.memory_space<vmem>>) target(%dma_start3A_668 : memref<200x16xf32, #tpu.memory_space<hbm>>) target_semaphore(%arg8 : memref<!tpu.dma_semaphore, #tpu.memory_space<semaphore_mem>>)
      %add3A_672 = arith.constant 9 : i32
      %add3A_673 = arith.addi %add3A_11, %add3A_672 : i32
      %dma_start3A_674 = arith.constant 1800 : i32
      %dma_start3A_675 = arith.constant 0 : i32
      %dma_start3A_676 = tpu.memref_slice %arg6[%dma_start3A_674, %dma_start3A_675] : memref<3200x16xf32, #tpu.memory_space<vmem>> -> memref<200x16xf32, #tpu.memory_space<vmem>>
      %dma_start3A_677 = arith.constant 0 : i32
      %dma_start3A_678 = arith.constant 0 : i32
      %dma_start3A_679 = tpu.memref_slice %arg4[%add3A_673, %dma_start3A_677, %dma_start3A_678] : memref<16384x200x16xf32, #tpu.memory_space<hbm>> -> memref<1x200x16xf32, #tpu.memory_space<hbm>>
      %dma_start3A_680 = tpu.memref_squeeze %dma_start3A_679 : memref<1x200x16xf32, #tpu.memory_space<hbm>> -> memref<200x16xf32, #tpu.memory_space<hbm>>
      %dma_start3A_681 = arith.constant 0 : i32
      %dma_start3A_682 = arith.constant 0 : i32
      %dma_start3A_683 = tpu.memref_slice %arg4[%add3A_673, %dma_start3A_681, %dma_start3A_682] : memref<16384x200x16xf32, #tpu.memory_space<hbm>> -> memref<1x200x16xf32, #tpu.memory_space<hbm>>
      %dma_start3A_684 = tpu.memref_squeeze %dma_start3A_683 : memref<1x200x16xf32, #tpu.memory_space<hbm>> -> memref<200x16xf32, #tpu.memory_space<hbm>>
      %dma_start3A_685 = arith.constant 1800 : i32
      %dma_start3A_686 = arith.constant 0 : i32
      %dma_start3A_687 = tpu.memref_slice %arg6[%dma_start3A_685, %dma_start3A_686] : memref<3200x16xf32, #tpu.memory_space<vmem>> -> memref<200x16xf32, #tpu.memory_space<vmem>>
      tpu.enqueue_dma source(%dma_start3A_687 : memref<200x16xf32, #tpu.memory_space<vmem>>) target(%dma_start3A_684 : memref<200x16xf32, #tpu.memory_space<hbm>>) target_semaphore(%arg8 : memref<!tpu.dma_semaphore, #tpu.memory_space<semaphore_mem>>)
      %add3A_688 = arith.constant 10 : i32
      %add3A_689 = arith.addi %add3A_11, %add3A_688 : i32
      %dma_start3A_690 = arith.constant 2000 : i32
      %dma_start3A_691 = arith.constant 0 : i32
      %dma_start3A_692 = tpu.memref_slice %arg6[%dma_start3A_690, %dma_start3A_691] : memref<3200x16xf32, #tpu.memory_space<vmem>> -> memref<200x16xf32, #tpu.memory_space<vmem>>
      %dma_start3A_693 = arith.constant 0 : i32
      %dma_start3A_694 = arith.constant 0 : i32
      %dma_start3A_695 = tpu.memref_slice %arg4[%add3A_689, %dma_start3A_693, %dma_start3A_694] : memref<16384x200x16xf32, #tpu.memory_space<hbm>> -> memref<1x200x16xf32, #tpu.memory_space<hbm>>
      %dma_start3A_696 = tpu.memref_squeeze %dma_start3A_695 : memref<1x200x16xf32, #tpu.memory_space<hbm>> -> memref<200x16xf32, #tpu.memory_space<hbm>>
      %dma_start3A_697 = arith.constant 0 : i32
      %dma_start3A_698 = arith.constant 0 : i32
      %dma_start3A_699 = tpu.memref_slice %arg4[%add3A_689, %dma_start3A_697, %dma_start3A_698] : memref<16384x200x16xf32, #tpu.memory_space<hbm>> -> memref<1x200x16xf32, #tpu.memory_space<hbm>>
      %dma_start3A_700 = tpu.memref_squeeze %dma_start3A_699 : memref<1x200x16xf32, #tpu.memory_space<hbm>> -> memref<200x16xf32, #tpu.memory_space<hbm>>
      %dma_start3A_701 = arith.constant 2000 : i32
      %dma_start3A_702 = arith.constant 0 : i32
      %dma_start3A_703 = tpu.memref_slice %arg6[%dma_start3A_701, %dma_start3A_702] : memref<3200x16xf32, #tpu.memory_space<vmem>> -> memref<200x16xf32, #tpu.memory_space<vmem>>
      tpu.enqueue_dma source(%dma_start3A_703 : memref<200x16xf32, #tpu.memory_space<vmem>>) target(%dma_start3A_700 : memref<200x16xf32, #tpu.memory_space<hbm>>) target_semaphore(%arg8 : memref<!tpu.dma_semaphore, #tpu.memory_space<semaphore_mem>>)
      %add3A_704 = arith.constant 11 : i32
      %add3A_705 = arith.addi %add3A_11, %add3A_704 : i32
      %dma_start3A_706 = arith.constant 2200 : i32
      %dma_start3A_707 = arith.constant 0 : i32
      %dma_start3A_708 = tpu.memref_slice %arg6[%dma_start3A_706, %dma_start3A_707] : memref<3200x16xf32, #tpu.memory_space<vmem>> -> memref<200x16xf32, #tpu.memory_space<vmem>>
      %dma_start3A_709 = arith.constant 0 : i32
      %dma_start3A_710 = arith.constant 0 : i32
      %dma_start3A_711 = tpu.memref_slice %arg4[%add3A_705, %dma_start3A_709, %dma_start3A_710] : memref<16384x200x16xf32, #tpu.memory_space<hbm>> -> memref<1x200x16xf32, #tpu.memory_space<hbm>>
      %dma_start3A_712 = tpu.memref_squeeze %dma_start3A_711 : memref<1x200x16xf32, #tpu.memory_space<hbm>> -> memref<200x16xf32, #tpu.memory_space<hbm>>
      %dma_start3A_713 = arith.constant 0 : i32
      %dma_start3A_714 = arith.constant 0 : i32
      %dma_start3A_715 = tpu.memref_slice %arg4[%add3A_705, %dma_start3A_713, %dma_start3A_714] : memref<16384x200x16xf32, #tpu.memory_space<hbm>> -> memref<1x200x16xf32, #tpu.memory_space<hbm>>
      %dma_start3A_716 = tpu.memref_squeeze %dma_start3A_715 : memref<1x200x16xf32, #tpu.memory_space<hbm>> -> memref<200x16xf32, #tpu.memory_space<hbm>>
      %dma_start3A_717 = arith.constant 2200 : i32
      %dma_start3A_718 = arith.constant 0 : i32
      %dma_start3A_719 = tpu.memref_slice %arg6[%dma_start3A_717, %dma_start3A_718] : memref<3200x16xf32, #tpu.memory_space<vmem>> -> memref<200x16xf32, #tpu.memory_space<vmem>>
      tpu.enqueue_dma source(%dma_start3A_719 : memref<200x16xf32, #tpu.memory_space<vmem>>) target(%dma_start3A_716 : memref<200x16xf32, #tpu.memory_space<hbm>>) target_semaphore(%arg8 : memref<!tpu.dma_semaphore, #tpu.memory_space<semaphore_mem>>)
      %add3A_720 = arith.constant 12 : i32
      %add3A_721 = arith.addi %add3A_11, %add3A_720 : i32
      %dma_start3A_722 = arith.constant 2400 : i32
      %dma_start3A_723 = arith.constant 0 : i32
      %dma_start3A_724 = tpu.memref_slice %arg6[%dma_start3A_722, %dma_start3A_723] : memref<3200x16xf32, #tpu.memory_space<vmem>> -> memref<200x16xf32, #tpu.memory_space<vmem>>
      %dma_start3A_725 = arith.constant 0 : i32
      %dma_start3A_726 = arith.constant 0 : i32
      %dma_start3A_727 = tpu.memref_slice %arg4[%add3A_721, %dma_start3A_725, %dma_start3A_726] : memref<16384x200x16xf32, #tpu.memory_space<hbm>> -> memref<1x200x16xf32, #tpu.memory_space<hbm>>
      %dma_start3A_728 = tpu.memref_squeeze %dma_start3A_727 : memref<1x200x16xf32, #tpu.memory_space<hbm>> -> memref<200x16xf32, #tpu.memory_space<hbm>>
      %dma_start3A_729 = arith.constant 0 : i32
      %dma_start3A_730 = arith.constant 0 : i32
      %dma_start3A_731 = tpu.memref_slice %arg4[%add3A_721, %dma_start3A_729, %dma_start3A_730] : memref<16384x200x16xf32, #tpu.memory_space<hbm>> -> memref<1x200x16xf32, #tpu.memory_space<hbm>>
      %dma_start3A_732 = tpu.memref_squeeze %dma_start3A_731 : memref<1x200x16xf32, #tpu.memory_space<hbm>> -> memref<200x16xf32, #tpu.memory_space<hbm>>
      %dma_start3A_733 = arith.constant 2400 : i32
      %dma_start3A_734 = arith.constant 0 : i32
      %dma_start3A_735 = tpu.memref_slice %arg6[%dma_start3A_733, %dma_start3A_734] : memref<3200x16xf32, #tpu.memory_space<vmem>> -> memref<200x16xf32, #tpu.memory_space<vmem>>
      tpu.enqueue_dma source(%dma_start3A_735 : memref<200x16xf32, #tpu.memory_space<vmem>>) target(%dma_start3A_732 : memref<200x16xf32, #tpu.memory_space<hbm>>) target_semaphore(%arg8 : memref<!tpu.dma_semaphore, #tpu.memory_space<semaphore_mem>>)
      %add3A_736 = arith.constant 13 : i32
      %add3A_737 = arith.addi %add3A_11, %add3A_736 : i32
      %dma_start3A_738 = arith.constant 2600 : i32
      %dma_start3A_739 = arith.constant 0 : i32
      %dma_start3A_740 = tpu.memref_slice %arg6[%dma_start3A_738, %dma_start3A_739] : memref<3200x16xf32, #tpu.memory_space<vmem>> -> memref<200x16xf32, #tpu.memory_space<vmem>>
      %dma_start3A_741 = arith.constant 0 : i32
      %dma_start3A_742 = arith.constant 0 : i32
      %dma_start3A_743 = tpu.memref_slice %arg4[%add3A_737, %dma_start3A_741, %dma_start3A_742] : memref<16384x200x16xf32, #tpu.memory_space<hbm>> -> memref<1x200x16xf32, #tpu.memory_space<hbm>>
      %dma_start3A_744 = tpu.memref_squeeze %dma_start3A_743 : memref<1x200x16xf32, #tpu.memory_space<hbm>> -> memref<200x16xf32, #tpu.memory_space<hbm>>
      %dma_start3A_745 = arith.constant 0 : i32
      %dma_start3A_746 = arith.constant 0 : i32
      %dma_start3A_747 = tpu.memref_slice %arg4[%add3A_737, %dma_start3A_745, %dma_start3A_746] : memref<16384x200x16xf32, #tpu.memory_space<hbm>> -> memref<1x200x16xf32, #tpu.memory_space<hbm>>
      %dma_start3A_748 = tpu.memref_squeeze %dma_start3A_747 : memref<1x200x16xf32, #tpu.memory_space<hbm>> -> memref<200x16xf32, #tpu.memory_space<hbm>>
      %dma_start3A_749 = arith.constant 2600 : i32
      %dma_start3A_750 = arith.constant 0 : i32
      %dma_start3A_751 = tpu.memref_slice %arg6[%dma_start3A_749, %dma_start3A_750] : memref<3200x16xf32, #tpu.memory_space<vmem>> -> memref<200x16xf32, #tpu.memory_space<vmem>>
      tpu.enqueue_dma source(%dma_start3A_751 : memref<200x16xf32, #tpu.memory_space<vmem>>) target(%dma_start3A_748 : memref<200x16xf32, #tpu.memory_space<hbm>>) target_semaphore(%arg8 : memref<!tpu.dma_semaphore, #tpu.memory_space<semaphore_mem>>)
      %add3A_752 = arith.constant 14 : i32
      %add3A_753 = arith.addi %add3A_11, %add3A_752 : i32
      %dma_start3A_754 = arith.constant 2800 : i32
      %dma_start3A_755 = arith.constant 0 : i32
      %dma_start3A_756 = tpu.memref_slice %arg6[%dma_start3A_754, %dma_start3A_755] : memref<3200x16xf32, #tpu.memory_space<vmem>> -> memref<200x16xf32, #tpu.memory_space<vmem>>
      %dma_start3A_757 = arith.constant 0 : i32
      %dma_start3A_758 = arith.constant 0 : i32
      %dma_start3A_759 = tpu.memref_slice %arg4[%add3A_753, %dma_start3A_757, %dma_start3A_758] : memref<16384x200x16xf32, #tpu.memory_space<hbm>> -> memref<1x200x16xf32, #tpu.memory_space<hbm>>
      %dma_start3A_760 = tpu.memref_squeeze %dma_start3A_759 : memref<1x200x16xf32, #tpu.memory_space<hbm>> -> memref<200x16xf32, #tpu.memory_space<hbm>>
      %dma_start3A_761 = arith.constant 0 : i32
      %dma_start3A_762 = arith.constant 0 : i32
      %dma_start3A_763 = tpu.memref_slice %arg4[%add3A_753, %dma_start3A_761, %dma_start3A_762] : memref<16384x200x16xf32, #tpu.memory_space<hbm>> -> memref<1x200x16xf32, #tpu.memory_space<hbm>>
      %dma_start3A_764 = tpu.memref_squeeze %dma_start3A_763 : memref<1x200x16xf32, #tpu.memory_space<hbm>> -> memref<200x16xf32, #tpu.memory_space<hbm>>
      %dma_start3A_765 = arith.constant 2800 : i32
      %dma_start3A_766 = arith.constant 0 : i32
      %dma_start3A_767 = tpu.memref_slice %arg6[%dma_start3A_765, %dma_start3A_766] : memref<3200x16xf32, #tpu.memory_space<vmem>> -> memref<200x16xf32, #tpu.memory_space<vmem>>
      tpu.enqueue_dma source(%dma_start3A_767 : memref<200x16xf32, #tpu.memory_space<vmem>>) target(%dma_start3A_764 : memref<200x16xf32, #tpu.memory_space<hbm>>) target_semaphore(%arg8 : memref<!tpu.dma_semaphore, #tpu.memory_space<semaphore_mem>>)
      %add3A_768 = arith.constant 15 : i32
      %add3A_769 = arith.addi %add3A_11, %add3A_768 : i32
      %dma_start3A_770 = arith.constant 3000 : i32
      %dma_start3A_771 = arith.constant 0 : i32
      %dma_start3A_772 = tpu.memref_slice %arg6[%dma_start3A_770, %dma_start3A_771] : memref<3200x16xf32, #tpu.memory_space<vmem>> -> memref<200x16xf32, #tpu.memory_space<vmem>>
      %dma_start3A_773 = arith.constant 0 : i32
      %dma_start3A_774 = arith.constant 0 : i32
      %dma_start3A_775 = tpu.memref_slice %arg4[%add3A_769, %dma_start3A_773, %dma_start3A_774] : memref<16384x200x16xf32, #tpu.memory_space<hbm>> -> memref<1x200x16xf32, #tpu.memory_space<hbm>>
      %dma_start3A_776 = tpu.memref_squeeze %dma_start3A_775 : memref<1x200x16xf32, #tpu.memory_space<hbm>> -> memref<200x16xf32, #tpu.memory_space<hbm>>
      %dma_start3A_777 = arith.constant 0 : i32
      %dma_start3A_778 = arith.constant 0 : i32
      %dma_start3A_779 = tpu.memref_slice %arg4[%add3A_769, %dma_start3A_777, %dma_start3A_778] : memref<16384x200x16xf32, #tpu.memory_space<hbm>> -> memref<1x200x16xf32, #tpu.memory_space<hbm>>
      %dma_start3A_780 = tpu.memref_squeeze %dma_start3A_779 : memref<1x200x16xf32, #tpu.memory_space<hbm>> -> memref<200x16xf32, #tpu.memory_space<hbm>>
      %dma_start3A_781 = arith.constant 3000 : i32
      %dma_start3A_782 = arith.constant 0 : i32
      %dma_start3A_783 = tpu.memref_slice %arg6[%dma_start3A_781, %dma_start3A_782] : memref<3200x16xf32, #tpu.memory_space<vmem>> -> memref<200x16xf32, #tpu.memory_space<vmem>>
      tpu.enqueue_dma source(%dma_start3A_783 : memref<200x16xf32, #tpu.memory_space<vmem>>) target(%dma_start3A_780 : memref<200x16xf32, #tpu.memory_space<hbm>>) target_semaphore(%arg8 : memref<!tpu.dma_semaphore, #tpu.memory_space<semaphore_mem>>)
      %dma_wait3A_784 = arith.constant 0 : i32
      %dma_wait3A_785 = arith.constant 0 : i32
      %dma_wait3A_786 = tpu.memref_slice %arg6[%dma_wait3A_784, %dma_wait3A_785] : memref<3200x16xf32, #tpu.memory_space<vmem>> -> memref<200x16xf32, #tpu.memory_space<vmem>>
      %dma_wait3A_787 = arith.constant 0 : i32
      %dma_wait3A_788 = arith.constant 0 : i32
      %dma_wait3A_789 = tpu.memref_slice %arg4[%add3A_529, %dma_wait3A_787, %dma_wait3A_788] : memref<16384x200x16xf32, #tpu.memory_space<hbm>> -> memref<1x200x16xf32, #tpu.memory_space<hbm>>
      %dma_wait3A_790 = tpu.memref_squeeze %dma_wait3A_789 : memref<1x200x16xf32, #tpu.memory_space<hbm>> -> memref<200x16xf32, #tpu.memory_space<hbm>>
      %dma_wait3A_791 = arith.constant 0 : i32
      %dma_wait3A_792 = arith.constant 0 : i32
      %dma_wait3A_793 = tpu.memref_slice %arg4[%add3A_529, %dma_wait3A_791, %dma_wait3A_792] : memref<16384x200x16xf32, #tpu.memory_space<hbm>> -> memref<1x200x16xf32, #tpu.memory_space<hbm>>
      %dma_wait3A_794 = tpu.memref_squeeze %dma_wait3A_793 : memref<1x200x16xf32, #tpu.memory_space<hbm>> -> memref<200x16xf32, #tpu.memory_space<hbm>>
      %dma_wait3A_795 = arith.constant 0 : i32
      %dma_wait3A_796 = arith.constant 0 : i32
      %dma_wait3A_797 = tpu.memref_slice %arg6[%dma_wait3A_795, %dma_wait3A_796] : memref<3200x16xf32, #tpu.memory_space<vmem>> -> memref<200x16xf32, #tpu.memory_space<vmem>>
      tpu.wait_dma2 semaphore(%arg8 : memref<!tpu.dma_semaphore, #tpu.memory_space<semaphore_mem>>) src(%dma_wait3A_797 : memref<200x16xf32, #tpu.memory_space<vmem>>) dst(%dma_wait3A_794 : memref<200x16xf32, #tpu.memory_space<hbm>>)
      %dma_wait3A_798 = arith.constant 200 : i32
      %dma_wait3A_799 = arith.constant 0 : i32
      %dma_wait3A_800 = tpu.memref_slice %arg6[%dma_wait3A_798, %dma_wait3A_799] : memref<3200x16xf32, #tpu.memory_space<vmem>> -> memref<200x16xf32, #tpu.memory_space<vmem>>
      %dma_wait3A_801 = arith.constant 0 : i32
      %dma_wait3A_802 = arith.constant 0 : i32
      %dma_wait3A_803 = tpu.memref_slice %arg4[%add3A_545, %dma_wait3A_801, %dma_wait3A_802] : memref<16384x200x16xf32, #tpu.memory_space<hbm>> -> memref<1x200x16xf32, #tpu.memory_space<hbm>>
      %dma_wait3A_804 = tpu.memref_squeeze %dma_wait3A_803 : memref<1x200x16xf32, #tpu.memory_space<hbm>> -> memref<200x16xf32, #tpu.memory_space<hbm>>
      %dma_wait3A_805 = arith.constant 0 : i32
      %dma_wait3A_806 = arith.constant 0 : i32
      %dma_wait3A_807 = tpu.memref_slice %arg4[%add3A_545, %dma_wait3A_805, %dma_wait3A_806] : memref<16384x200x16xf32, #tpu.memory_space<hbm>> -> memref<1x200x16xf32, #tpu.memory_space<hbm>>
      %dma_wait3A_808 = tpu.memref_squeeze %dma_wait3A_807 : memref<1x200x16xf32, #tpu.memory_space<hbm>> -> memref<200x16xf32, #tpu.memory_space<hbm>>
      %dma_wait3A_809 = arith.constant 200 : i32
      %dma_wait3A_810 = arith.constant 0 : i32
      %dma_wait3A_811 = tpu.memref_slice %arg6[%dma_wait3A_809, %dma_wait3A_810] : memref<3200x16xf32, #tpu.memory_space<vmem>> -> memref<200x16xf32, #tpu.memory_space<vmem>>
      tpu.wait_dma2 semaphore(%arg8 : memref<!tpu.dma_semaphore, #tpu.memory_space<semaphore_mem>>) src(%dma_wait3A_811 : memref<200x16xf32, #tpu.memory_space<vmem>>) dst(%dma_wait3A_808 : memref<200x16xf32, #tpu.memory_space<hbm>>)
      %dma_wait3A_812 = arith.constant 400 : i32
      %dma_wait3A_813 = arith.constant 0 : i32
      %dma_wait3A_814 = tpu.memref_slice %arg6[%dma_wait3A_812, %dma_wait3A_813] : memref<3200x16xf32, #tpu.memory_space<vmem>> -> memref<200x16xf32, #tpu.memory_space<vmem>>
      %dma_wait3A_815 = arith.constant 0 : i32
      %dma_wait3A_816 = arith.constant 0 : i32
      %dma_wait3A_817 = tpu.memref_slice %arg4[%add3A_561, %dma_wait3A_815, %dma_wait3A_816] : memref<16384x200x16xf32, #tpu.memory_space<hbm>> -> memref<1x200x16xf32, #tpu.memory_space<hbm>>
      %dma_wait3A_818 = tpu.memref_squeeze %dma_wait3A_817 : memref<1x200x16xf32, #tpu.memory_space<hbm>> -> memref<200x16xf32, #tpu.memory_space<hbm>>
      %dma_wait3A_819 = arith.constant 0 : i32
      %dma_wait3A_820 = arith.constant 0 : i32
      %dma_wait3A_821 = tpu.memref_slice %arg4[%add3A_561, %dma_wait3A_819, %dma_wait3A_820] : memref<16384x200x16xf32, #tpu.memory_space<hbm>> -> memref<1x200x16xf32, #tpu.memory_space<hbm>>
      %dma_wait3A_822 = tpu.memref_squeeze %dma_wait3A_821 : memref<1x200x16xf32, #tpu.memory_space<hbm>> -> memref<200x16xf32, #tpu.memory_space<hbm>>
      %dma_wait3A_823 = arith.constant 400 : i32
      %dma_wait3A_824 = arith.constant 0 : i32
      %dma_wait3A_825 = tpu.memref_slice %arg6[%dma_wait3A_823, %dma_wait3A_824] : memref<3200x16xf32, #tpu.memory_space<vmem>> -> memref<200x16xf32, #tpu.memory_space<vmem>>
      tpu.wait_dma2 semaphore(%arg8 : memref<!tpu.dma_semaphore, #tpu.memory_space<semaphore_mem>>) src(%dma_wait3A_825 : memref<200x16xf32, #tpu.memory_space<vmem>>) dst(%dma_wait3A_822 : memref<200x16xf32, #tpu.memory_space<hbm>>)
      %dma_wait3A_826 = arith.constant 600 : i32
      %dma_wait3A_827 = arith.constant 0 : i32
      %dma_wait3A_828 = tpu.memref_slice %arg6[%dma_wait3A_826, %dma_wait3A_827] : memref<3200x16xf32, #tpu.memory_space<vmem>> -> memref<200x16xf32, #tpu.memory_space<vmem>>
      %dma_wait3A_829 = arith.constant 0 : i32
      %dma_wait3A_830 = arith.constant 0 : i32
      %dma_wait3A_831 = tpu.memref_slice %arg4[%add3A_577, %dma_wait3A_829, %dma_wait3A_830] : memref<16384x200x16xf32, #tpu.memory_space<hbm>> -> memref<1x200x16xf32, #tpu.memory_space<hbm>>
      %dma_wait3A_832 = tpu.memref_squeeze %dma_wait3A_831 : memref<1x200x16xf32, #tpu.memory_space<hbm>> -> memref<200x16xf32, #tpu.memory_space<hbm>>
      %dma_wait3A_833 = arith.constant 0 : i32
      %dma_wait3A_834 = arith.constant 0 : i32
      %dma_wait3A_835 = tpu.memref_slice %arg4[%add3A_577, %dma_wait3A_833, %dma_wait3A_834] : memref<16384x200x16xf32, #tpu.memory_space<hbm>> -> memref<1x200x16xf32, #tpu.memory_space<hbm>>
      %dma_wait3A_836 = tpu.memref_squeeze %dma_wait3A_835 : memref<1x200x16xf32, #tpu.memory_space<hbm>> -> memref<200x16xf32, #tpu.memory_space<hbm>>
      %dma_wait3A_837 = arith.constant 600 : i32
      %dma_wait3A_838 = arith.constant 0 : i32
      %dma_wait3A_839 = tpu.memref_slice %arg6[%dma_wait3A_837, %dma_wait3A_838] : memref<3200x16xf32, #tpu.memory_space<vmem>> -> memref<200x16xf32, #tpu.memory_space<vmem>>
      tpu.wait_dma2 semaphore(%arg8 : memref<!tpu.dma_semaphore, #tpu.memory_space<semaphore_mem>>) src(%dma_wait3A_839 : memref<200x16xf32, #tpu.memory_space<vmem>>) dst(%dma_wait3A_836 : memref<200x16xf32, #tpu.memory_space<hbm>>)
      %dma_wait3A_840 = arith.constant 800 : i32
      %dma_wait3A_841 = arith.constant 0 : i32
      %dma_wait3A_842 = tpu.memref_slice %arg6[%dma_wait3A_840, %dma_wait3A_841] : memref<3200x16xf32, #tpu.memory_space<vmem>> -> memref<200x16xf32, #tpu.memory_space<vmem>>
      %dma_wait3A_843 = arith.constant 0 : i32
      %dma_wait3A_844 = arith.constant 0 : i32
      %dma_wait3A_845 = tpu.memref_slice %arg4[%add3A_593, %dma_wait3A_843, %dma_wait3A_844] : memref<16384x200x16xf32, #tpu.memory_space<hbm>> -> memref<1x200x16xf32, #tpu.memory_space<hbm>>
      %dma_wait3A_846 = tpu.memref_squeeze %dma_wait3A_845 : memref<1x200x16xf32, #tpu.memory_space<hbm>> -> memref<200x16xf32, #tpu.memory_space<hbm>>
      %dma_wait3A_847 = arith.constant 0 : i32
      %dma_wait3A_848 = arith.constant 0 : i32
      %dma_wait3A_849 = tpu.memref_slice %arg4[%add3A_593, %dma_wait3A_847, %dma_wait3A_848] : memref<16384x200x16xf32, #tpu.memory_space<hbm>> -> memref<1x200x16xf32, #tpu.memory_space<hbm>>
      %dma_wait3A_850 = tpu.memref_squeeze %dma_wait3A_849 : memref<1x200x16xf32, #tpu.memory_space<hbm>> -> memref<200x16xf32, #tpu.memory_space<hbm>>
      %dma_wait3A_851 = arith.constant 800 : i32
      %dma_wait3A_852 = arith.constant 0 : i32
      %dma_wait3A_853 = tpu.memref_slice %arg6[%dma_wait3A_851, %dma_wait3A_852] : memref<3200x16xf32, #tpu.memory_space<vmem>> -> memref<200x16xf32, #tpu.memory_space<vmem>>
      tpu.wait_dma2 semaphore(%arg8 : memref<!tpu.dma_semaphore, #tpu.memory_space<semaphore_mem>>) src(%dma_wait3A_853 : memref<200x16xf32, #tpu.memory_space<vmem>>) dst(%dma_wait3A_850 : memref<200x16xf32, #tpu.memory_space<hbm>>)
      %dma_wait3A_854 = arith.constant 1000 : i32
      %dma_wait3A_855 = arith.constant 0 : i32
      %dma_wait3A_856 = tpu.memref_slice %arg6[%dma_wait3A_854, %dma_wait3A_855] : memref<3200x16xf32, #tpu.memory_space<vmem>> -> memref<200x16xf32, #tpu.memory_space<vmem>>
      %dma_wait3A_857 = arith.constant 0 : i32
      %dma_wait3A_858 = arith.constant 0 : i32
      %dma_wait3A_859 = tpu.memref_slice %arg4[%add3A_609, %dma_wait3A_857, %dma_wait3A_858] : memref<16384x200x16xf32, #tpu.memory_space<hbm>> -> memref<1x200x16xf32, #tpu.memory_space<hbm>>
      %dma_wait3A_860 = tpu.memref_squeeze %dma_wait3A_859 : memref<1x200x16xf32, #tpu.memory_space<hbm>> -> memref<200x16xf32, #tpu.memory_space<hbm>>
      %dma_wait3A_861 = arith.constant 0 : i32
      %dma_wait3A_862 = arith.constant 0 : i32
      %dma_wait3A_863 = tpu.memref_slice %arg4[%add3A_609, %dma_wait3A_861, %dma_wait3A_862] : memref<16384x200x16xf32, #tpu.memory_space<hbm>> -> memref<1x200x16xf32, #tpu.memory_space<hbm>>
      %dma_wait3A_864 = tpu.memref_squeeze %dma_wait3A_863 : memref<1x200x16xf32, #tpu.memory_space<hbm>> -> memref<200x16xf32, #tpu.memory_space<hbm>>
      %dma_wait3A_865 = arith.constant 1000 : i32
      %dma_wait3A_866 = arith.constant 0 : i32
      %dma_wait3A_867 = tpu.memref_slice %arg6[%dma_wait3A_865, %dma_wait3A_866] : memref<3200x16xf32, #tpu.memory_space<vmem>> -> memref<200x16xf32, #tpu.memory_space<vmem>>
      tpu.wait_dma2 semaphore(%arg8 : memref<!tpu.dma_semaphore, #tpu.memory_space<semaphore_mem>>) src(%dma_wait3A_867 : memref<200x16xf32, #tpu.memory_space<vmem>>) dst(%dma_wait3A_864 : memref<200x16xf32, #tpu.memory_space<hbm>>)
      %dma_wait3A_868 = arith.constant 1200 : i32
      %dma_wait3A_869 = arith.constant 0 : i32
      %dma_wait3A_870 = tpu.memref_slice %arg6[%dma_wait3A_868, %dma_wait3A_869] : memref<3200x16xf32, #tpu.memory_space<vmem>> -> memref<200x16xf32, #tpu.memory_space<vmem>>
      %dma_wait3A_871 = arith.constant 0 : i32
      %dma_wait3A_872 = arith.constant 0 : i32
      %dma_wait3A_873 = tpu.memref_slice %arg4[%add3A_625, %dma_wait3A_871, %dma_wait3A_872] : memref<16384x200x16xf32, #tpu.memory_space<hbm>> -> memref<1x200x16xf32, #tpu.memory_space<hbm>>
      %dma_wait3A_874 = tpu.memref_squeeze %dma_wait3A_873 : memref<1x200x16xf32, #tpu.memory_space<hbm>> -> memref<200x16xf32, #tpu.memory_space<hbm>>
      %dma_wait3A_875 = arith.constant 0 : i32
      %dma_wait3A_876 = arith.constant 0 : i32
      %dma_wait3A_877 = tpu.memref_slice %arg4[%add3A_625, %dma_wait3A_875, %dma_wait3A_876] : memref<16384x200x16xf32, #tpu.memory_space<hbm>> -> memref<1x200x16xf32, #tpu.memory_space<hbm>>
      %dma_wait3A_878 = tpu.memref_squeeze %dma_wait3A_877 : memref<1x200x16xf32, #tpu.memory_space<hbm>> -> memref<200x16xf32, #tpu.memory_space<hbm>>
      %dma_wait3A_879 = arith.constant 1200 : i32
      %dma_wait3A_880 = arith.constant 0 : i32
      %dma_wait3A_881 = tpu.memref_slice %arg6[%dma_wait3A_879, %dma_wait3A_880] : memref<3200x16xf32, #tpu.memory_space<vmem>> -> memref<200x16xf32, #tpu.memory_space<vmem>>
      tpu.wait_dma2 semaphore(%arg8 : memref<!tpu.dma_semaphore, #tpu.memory_space<semaphore_mem>>) src(%dma_wait3A_881 : memref<200x16xf32, #tpu.memory_space<vmem>>) dst(%dma_wait3A_878 : memref<200x16xf32, #tpu.memory_space<hbm>>)
      %dma_wait3A_882 = arith.constant 1400 : i32
      %dma_wait3A_883 = arith.constant 0 : i32
      %dma_wait3A_884 = tpu.memref_slice %arg6[%dma_wait3A_882, %dma_wait3A_883] : memref<3200x16xf32, #tpu.memory_space<vmem>> -> memref<200x16xf32, #tpu.memory_space<vmem>>
      %dma_wait3A_885 = arith.constant 0 : i32
      %dma_wait3A_886 = arith.constant 0 : i32
      %dma_wait3A_887 = tpu.memref_slice %arg4[%add3A_641, %dma_wait3A_885, %dma_wait3A_886] : memref<16384x200x16xf32, #tpu.memory_space<hbm>> -> memref<1x200x16xf32, #tpu.memory_space<hbm>>
      %dma_wait3A_888 = tpu.memref_squeeze %dma_wait3A_887 : memref<1x200x16xf32, #tpu.memory_space<hbm>> -> memref<200x16xf32, #tpu.memory_space<hbm>>
      %dma_wait3A_889 = arith.constant 0 : i32
      %dma_wait3A_890 = arith.constant 0 : i32
      %dma_wait3A_891 = tpu.memref_slice %arg4[%add3A_641, %dma_wait3A_889, %dma_wait3A_890] : memref<16384x200x16xf32, #tpu.memory_space<hbm>> -> memref<1x200x16xf32, #tpu.memory_space<hbm>>
      %dma_wait3A_892 = tpu.memref_squeeze %dma_wait3A_891 : memref<1x200x16xf32, #tpu.memory_space<hbm>> -> memref<200x16xf32, #tpu.memory_space<hbm>>
      %dma_wait3A_893 = arith.constant 1400 : i32
      %dma_wait3A_894 = arith.constant 0 : i32
      %dma_wait3A_895 = tpu.memref_slice %arg6[%dma_wait3A_893, %dma_wait3A_894] : memref<3200x16xf32, #tpu.memory_space<vmem>> -> memref<200x16xf32, #tpu.memory_space<vmem>>
      tpu.wait_dma2 semaphore(%arg8 : memref<!tpu.dma_semaphore, #tpu.memory_space<semaphore_mem>>) src(%dma_wait3A_895 : memref<200x16xf32, #tpu.memory_space<vmem>>) dst(%dma_wait3A_892 : memref<200x16xf32, #tpu.memory_space<hbm>>)
      %dma_wait3A_896 = arith.constant 1600 : i32
      %dma_wait3A_897 = arith.constant 0 : i32
      %dma_wait3A_898 = tpu.memref_slice %arg6[%dma_wait3A_896, %dma_wait3A_897] : memref<3200x16xf32, #tpu.memory_space<vmem>> -> memref<200x16xf32, #tpu.memory_space<vmem>>
      %dma_wait3A_899 = arith.constant 0 : i32
      %dma_wait3A_900 = arith.constant 0 : i32
      %dma_wait3A_901 = tpu.memref_slice %arg4[%add3A_657, %dma_wait3A_899, %dma_wait3A_900] : memref<16384x200x16xf32, #tpu.memory_space<hbm>> -> memref<1x200x16xf32, #tpu.memory_space<hbm>>
      %dma_wait3A_902 = tpu.memref_squeeze %dma_wait3A_901 : memref<1x200x16xf32, #tpu.memory_space<hbm>> -> memref<200x16xf32, #tpu.memory_space<hbm>>
      %dma_wait3A_903 = arith.constant 0 : i32
      %dma_wait3A_904 = arith.constant 0 : i32
      %dma_wait3A_905 = tpu.memref_slice %arg4[%add3A_657, %dma_wait3A_903, %dma_wait3A_904] : memref<16384x200x16xf32, #tpu.memory_space<hbm>> -> memref<1x200x16xf32, #tpu.memory_space<hbm>>
      %dma_wait3A_906 = tpu.memref_squeeze %dma_wait3A_905 : memref<1x200x16xf32, #tpu.memory_space<hbm>> -> memref<200x16xf32, #tpu.memory_space<hbm>>
      %dma_wait3A_907 = arith.constant 1600 : i32
      %dma_wait3A_908 = arith.constant 0 : i32
      %dma_wait3A_909 = tpu.memref_slice %arg6[%dma_wait3A_907, %dma_wait3A_908] : memref<3200x16xf32, #tpu.memory_space<vmem>> -> memref<200x16xf32, #tpu.memory_space<vmem>>
      tpu.wait_dma2 semaphore(%arg8 : memref<!tpu.dma_semaphore, #tpu.memory_space<semaphore_mem>>) src(%dma_wait3A_909 : memref<200x16xf32, #tpu.memory_space<vmem>>) dst(%dma_wait3A_906 : memref<200x16xf32, #tpu.memory_space<hbm>>)
      %dma_wait3A_910 = arith.constant 1800 : i32
      %dma_wait3A_911 = arith.constant 0 : i32
      %dma_wait3A_912 = tpu.memref_slice %arg6[%dma_wait3A_910, %dma_wait3A_911] : memref<3200x16xf32, #tpu.memory_space<vmem>> -> memref<200x16xf32, #tpu.memory_space<vmem>>
      %dma_wait3A_913 = arith.constant 0 : i32
      %dma_wait3A_914 = arith.constant 0 : i32
      %dma_wait3A_915 = tpu.memref_slice %arg4[%add3A_673, %dma_wait3A_913, %dma_wait3A_914] : memref<16384x200x16xf32, #tpu.memory_space<hbm>> -> memref<1x200x16xf32, #tpu.memory_space<hbm>>
      %dma_wait3A_916 = tpu.memref_squeeze %dma_wait3A_915 : memref<1x200x16xf32, #tpu.memory_space<hbm>> -> memref<200x16xf32, #tpu.memory_space<hbm>>
      %dma_wait3A_917 = arith.constant 0 : i32
      %dma_wait3A_918 = arith.constant 0 : i32
      %dma_wait3A_919 = tpu.memref_slice %arg4[%add3A_673, %dma_wait3A_917, %dma_wait3A_918] : memref<16384x200x16xf32, #tpu.memory_space<hbm>> -> memref<1x200x16xf32, #tpu.memory_space<hbm>>
      %dma_wait3A_920 = tpu.memref_squeeze %dma_wait3A_919 : memref<1x200x16xf32, #tpu.memory_space<hbm>> -> memref<200x16xf32, #tpu.memory_space<hbm>>
      %dma_wait3A_921 = arith.constant 1800 : i32
      %dma_wait3A_922 = arith.constant 0 : i32
      %dma_wait3A_923 = tpu.memref_slice %arg6[%dma_wait3A_921, %dma_wait3A_922] : memref<3200x16xf32, #tpu.memory_space<vmem>> -> memref<200x16xf32, #tpu.memory_space<vmem>>
      tpu.wait_dma2 semaphore(%arg8 : memref<!tpu.dma_semaphore, #tpu.memory_space<semaphore_mem>>) src(%dma_wait3A_923 : memref<200x16xf32, #tpu.memory_space<vmem>>) dst(%dma_wait3A_920 : memref<200x16xf32, #tpu.memory_space<hbm>>)
      %dma_wait3A_924 = arith.constant 2000 : i32
      %dma_wait3A_925 = arith.constant 0 : i32
      %dma_wait3A_926 = tpu.memref_slice %arg6[%dma_wait3A_924, %dma_wait3A_925] : memref<3200x16xf32, #tpu.memory_space<vmem>> -> memref<200x16xf32, #tpu.memory_space<vmem>>
      %dma_wait3A_927 = arith.constant 0 : i32
      %dma_wait3A_928 = arith.constant 0 : i32
      %dma_wait3A_929 = tpu.memref_slice %arg4[%add3A_689, %dma_wait3A_927, %dma_wait3A_928] : memref<16384x200x16xf32, #tpu.memory_space<hbm>> -> memref<1x200x16xf32, #tpu.memory_space<hbm>>
      %dma_wait3A_930 = tpu.memref_squeeze %dma_wait3A_929 : memref<1x200x16xf32, #tpu.memory_space<hbm>> -> memref<200x16xf32, #tpu.memory_space<hbm>>
      %dma_wait3A_931 = arith.constant 0 : i32
      %dma_wait3A_932 = arith.constant 0 : i32
      %dma_wait3A_933 = tpu.memref_slice %arg4[%add3A_689, %dma_wait3A_931, %dma_wait3A_932] : memref<16384x200x16xf32, #tpu.memory_space<hbm>> -> memref<1x200x16xf32, #tpu.memory_space<hbm>>
      %dma_wait3A_934 = tpu.memref_squeeze %dma_wait3A_933 : memref<1x200x16xf32, #tpu.memory_space<hbm>> -> memref<200x16xf32, #tpu.memory_space<hbm>>
      %dma_wait3A_935 = arith.constant 2000 : i32
      %dma_wait3A_936 = arith.constant 0 : i32
      %dma_wait3A_937 = tpu.memref_slice %arg6[%dma_wait3A_935, %dma_wait3A_936] : memref<3200x16xf32, #tpu.memory_space<vmem>> -> memref<200x16xf32, #tpu.memory_space<vmem>>
      tpu.wait_dma2 semaphore(%arg8 : memref<!tpu.dma_semaphore, #tpu.memory_space<semaphore_mem>>) src(%dma_wait3A_937 : memref<200x16xf32, #tpu.memory_space<vmem>>) dst(%dma_wait3A_934 : memref<200x16xf32, #tpu.memory_space<hbm>>)
      %dma_wait3A_938 = arith.constant 2200 : i32
      %dma_wait3A_939 = arith.constant 0 : i32
      %dma_wait3A_940 = tpu.memref_slice %arg6[%dma_wait3A_938, %dma_wait3A_939] : memref<3200x16xf32, #tpu.memory_space<vmem>> -> memref<200x16xf32, #tpu.memory_space<vmem>>
      %dma_wait3A_941 = arith.constant 0 : i32
      %dma_wait3A_942 = arith.constant 0 : i32
      %dma_wait3A_943 = tpu.memref_slice %arg4[%add3A_705, %dma_wait3A_941, %dma_wait3A_942] : memref<16384x200x16xf32, #tpu.memory_space<hbm>> -> memref<1x200x16xf32, #tpu.memory_space<hbm>>
      %dma_wait3A_944 = tpu.memref_squeeze %dma_wait3A_943 : memref<1x200x16xf32, #tpu.memory_space<hbm>> -> memref<200x16xf32, #tpu.memory_space<hbm>>
      %dma_wait3A_945 = arith.constant 0 : i32
      %dma_wait3A_946 = arith.constant 0 : i32
      %dma_wait3A_947 = tpu.memref_slice %arg4[%add3A_705, %dma_wait3A_945, %dma_wait3A_946] : memref<16384x200x16xf32, #tpu.memory_space<hbm>> -> memref<1x200x16xf32, #tpu.memory_space<hbm>>
      %dma_wait3A_948 = tpu.memref_squeeze %dma_wait3A_947 : memref<1x200x16xf32, #tpu.memory_space<hbm>> -> memref<200x16xf32, #tpu.memory_space<hbm>>
      %dma_wait3A_949 = arith.constant 2200 : i32
      %dma_wait3A_950 = arith.constant 0 : i32
      %dma_wait3A_951 = tpu.memref_slice %arg6[%dma_wait3A_949, %dma_wait3A_950] : memref<3200x16xf32, #tpu.memory_space<vmem>> -> memref<200x16xf32, #tpu.memory_space<vmem>>
      tpu.wait_dma2 semaphore(%arg8 : memref<!tpu.dma_semaphore, #tpu.memory_space<semaphore_mem>>) src(%dma_wait3A_951 : memref<200x16xf32, #tpu.memory_space<vmem>>) dst(%dma_wait3A_948 : memref<200x16xf32, #tpu.memory_space<hbm>>)
      %dma_wait3A_952 = arith.constant 2400 : i32
      %dma_wait3A_953 = arith.constant 0 : i32
      %dma_wait3A_954 = tpu.memref_slice %arg6[%dma_wait3A_952, %dma_wait3A_953] : memref<3200x16xf32, #tpu.memory_space<vmem>> -> memref<200x16xf32, #tpu.memory_space<vmem>>
      %dma_wait3A_955 = arith.constant 0 : i32
      %dma_wait3A_956 = arith.constant 0 : i32
      %dma_wait3A_957 = tpu.memref_slice %arg4[%add3A_721, %dma_wait3A_955, %dma_wait3A_956] : memref<16384x200x16xf32, #tpu.memory_space<hbm>> -> memref<1x200x16xf32, #tpu.memory_space<hbm>>
      %dma_wait3A_958 = tpu.memref_squeeze %dma_wait3A_957 : memref<1x200x16xf32, #tpu.memory_space<hbm>> -> memref<200x16xf32, #tpu.memory_space<hbm>>
      %dma_wait3A_959 = arith.constant 0 : i32
      %dma_wait3A_960 = arith.constant 0 : i32
      %dma_wait3A_961 = tpu.memref_slice %arg4[%add3A_721, %dma_wait3A_959, %dma_wait3A_960] : memref<16384x200x16xf32, #tpu.memory_space<hbm>> -> memref<1x200x16xf32, #tpu.memory_space<hbm>>
      %dma_wait3A_962 = tpu.memref_squeeze %dma_wait3A_961 : memref<1x200x16xf32, #tpu.memory_space<hbm>> -> memref<200x16xf32, #tpu.memory_space<hbm>>
      %dma_wait3A_963 = arith.constant 2400 : i32
      %dma_wait3A_964 = arith.constant 0 : i32
      %dma_wait3A_965 = tpu.memref_slice %arg6[%dma_wait3A_963, %dma_wait3A_964] : memref<3200x16xf32, #tpu.memory_space<vmem>> -> memref<200x16xf32, #tpu.memory_space<vmem>>
      tpu.wait_dma2 semaphore(%arg8 : memref<!tpu.dma_semaphore, #tpu.memory_space<semaphore_mem>>) src(%dma_wait3A_965 : memref<200x16xf32, #tpu.memory_space<vmem>>) dst(%dma_wait3A_962 : memref<200x16xf32, #tpu.memory_space<hbm>>)
      %dma_wait3A_966 = arith.constant 2600 : i32
      %dma_wait3A_967 = arith.constant 0 : i32
      %dma_wait3A_968 = tpu.memref_slice %arg6[%dma_wait3A_966, %dma_wait3A_967] : memref<3200x16xf32, #tpu.memory_space<vmem>> -> memref<200x16xf32, #tpu.memory_space<vmem>>
      %dma_wait3A_969 = arith.constant 0 : i32
      %dma_wait3A_970 = arith.constant 0 : i32
      %dma_wait3A_971 = tpu.memref_slice %arg4[%add3A_737, %dma_wait3A_969, %dma_wait3A_970] : memref<16384x200x16xf32, #tpu.memory_space<hbm>> -> memref<1x200x16xf32, #tpu.memory_space<hbm>>
      %dma_wait3A_972 = tpu.memref_squeeze %dma_wait3A_971 : memref<1x200x16xf32, #tpu.memory_space<hbm>> -> memref<200x16xf32, #tpu.memory_space<hbm>>
      %dma_wait3A_973 = arith.constant 0 : i32
      %dma_wait3A_974 = arith.constant 0 : i32
      %dma_wait3A_975 = tpu.memref_slice %arg4[%add3A_737, %dma_wait3A_973, %dma_wait3A_974] : memref<16384x200x16xf32, #tpu.memory_space<hbm>> -> memref<1x200x16xf32, #tpu.memory_space<hbm>>
      %dma_wait3A_976 = tpu.memref_squeeze %dma_wait3A_975 : memref<1x200x16xf32, #tpu.memory_space<hbm>> -> memref<200x16xf32, #tpu.memory_space<hbm>>
      %dma_wait3A_977 = arith.constant 2600 : i32
      %dma_wait3A_978 = arith.constant 0 : i32
      %dma_wait3A_979 = tpu.memref_slice %arg6[%dma_wait3A_977, %dma_wait3A_978] : memref<3200x16xf32, #tpu.memory_space<vmem>> -> memref<200x16xf32, #tpu.memory_space<vmem>>
      tpu.wait_dma2 semaphore(%arg8 : memref<!tpu.dma_semaphore, #tpu.memory_space<semaphore_mem>>) src(%dma_wait3A_979 : memref<200x16xf32, #tpu.memory_space<vmem>>) dst(%dma_wait3A_976 : memref<200x16xf32, #tpu.memory_space<hbm>>)
      %dma_wait3A_980 = arith.constant 2800 : i32
      %dma_wait3A_981 = arith.constant 0 : i32
      %dma_wait3A_982 = tpu.memref_slice %arg6[%dma_wait3A_980, %dma_wait3A_981] : memref<3200x16xf32, #tpu.memory_space<vmem>> -> memref<200x16xf32, #tpu.memory_space<vmem>>
      %dma_wait3A_983 = arith.constant 0 : i32
      %dma_wait3A_984 = arith.constant 0 : i32
      %dma_wait3A_985 = tpu.memref_slice %arg4[%add3A_753, %dma_wait3A_983, %dma_wait3A_984] : memref<16384x200x16xf32, #tpu.memory_space<hbm>> -> memref<1x200x16xf32, #tpu.memory_space<hbm>>
      %dma_wait3A_986 = tpu.memref_squeeze %dma_wait3A_985 : memref<1x200x16xf32, #tpu.memory_space<hbm>> -> memref<200x16xf32, #tpu.memory_space<hbm>>
      %dma_wait3A_987 = arith.constant 0 : i32
      %dma_wait3A_988 = arith.constant 0 : i32
      %dma_wait3A_989 = tpu.memref_slice %arg4[%add3A_753, %dma_wait3A_987, %dma_wait3A_988] : memref<16384x200x16xf32, #tpu.memory_space<hbm>> -> memref<1x200x16xf32, #tpu.memory_space<hbm>>
      %dma_wait3A_990 = tpu.memref_squeeze %dma_wait3A_989 : memref<1x200x16xf32, #tpu.memory_space<hbm>> -> memref<200x16xf32, #tpu.memory_space<hbm>>
      %dma_wait3A_991 = arith.constant 2800 : i32
      %dma_wait3A_992 = arith.constant 0 : i32
      %dma_wait3A_993 = tpu.memref_slice %arg6[%dma_wait3A_991, %dma_wait3A_992] : memref<3200x16xf32, #tpu.memory_space<vmem>> -> memref<200x16xf32, #tpu.memory_space<vmem>>
      tpu.wait_dma2 semaphore(%arg8 : memref<!tpu.dma_semaphore, #tpu.memory_space<semaphore_mem>>) src(%dma_wait3A_993 : memref<200x16xf32, #tpu.memory_space<vmem>>) dst(%dma_wait3A_990 : memref<200x16xf32, #tpu.memory_space<hbm>>)
      %dma_wait3A_994 = arith.constant 3000 : i32
      %dma_wait3A_995 = arith.constant 0 : i32
      %dma_wait3A_996 = tpu.memref_slice %arg6[%dma_wait3A_994, %dma_wait3A_995] : memref<3200x16xf32, #tpu.memory_space<vmem>> -> memref<200x16xf32, #tpu.memory_space<vmem>>
      %dma_wait3A_997 = arith.constant 0 : i32
      %dma_wait3A_998 = arith.constant 0 : i32
      %dma_wait3A_999 = tpu.memref_slice %arg4[%add3A_769, %dma_wait3A_997, %dma_wait3A_998] : memref<16384x200x16xf32, #tpu.memory_space<hbm>> -> memref<1x200x16xf32, #tpu.memory_space<hbm>>
      %dma_wait3A_1000 = tpu.memref_squeeze %dma_wait3A_999 : memref<1x200x16xf32, #tpu.memory_space<hbm>> -> memref<200x16xf32, #tpu.memory_space<hbm>>
      %dma_wait3A_1001 = arith.constant 0 : i32
      %dma_wait3A_1002 = arith.constant 0 : i32
      %dma_wait3A_1003 = tpu.memref_slice %arg4[%add3A_769, %dma_wait3A_1001, %dma_wait3A_1002] : memref<16384x200x16xf32, #tpu.memory_space<hbm>> -> memref<1x200x16xf32, #tpu.memory_space<hbm>>
      %dma_wait3A_1004 = tpu.memref_squeeze %dma_wait3A_1003 : memref<1x200x16xf32, #tpu.memory_space<hbm>> -> memref<200x16xf32, #tpu.memory_space<hbm>>
      %dma_wait3A_1005 = arith.constant 3000 : i32
      %dma_wait3A_1006 = arith.constant 0 : i32
      %dma_wait3A_1007 = tpu.memref_slice %arg6[%dma_wait3A_1005, %dma_wait3A_1006] : memref<3200x16xf32, #tpu.memory_space<vmem>> -> memref<200x16xf32, #tpu.memory_space<vmem>>
      tpu.wait_dma2 semaphore(%arg8 : memref<!tpu.dma_semaphore, #tpu.memory_space<semaphore_mem>>) src(%dma_wait3A_1007 : memref<200x16xf32, #tpu.memory_space<vmem>>) dst(%dma_wait3A_1004 : memref<200x16xf32, #tpu.memory_space<hbm>>)
    }
    %scan3A_7 = arith.constant 32 : i32
    return
  }
}

module attributes {stable_mosaic.version = 14 : i64} {
  func.func @_policy_body(%arg0: i32, %arg1: memref<256x13x13xf32, #tpu.memory_space<vmem>>, %arg2: memref<256x3xf32, #tpu.memory_space<vmem>>, %arg3: memref<256x200xi32, #tpu.memory_space<vmem>>, %arg4: memref<256x3xf32, #tpu.memory_space<vmem>>, %arg5: memref<13x13xf32, #tpu.memory_space<vmem>>, %arg6: memref<256x13x13xf32, #tpu.memory_space<vmem>>, %arg7: memref<256x3xf32, #tpu.memory_space<vmem>>, %arg8: memref<256x200xi32, #tpu.memory_space<vmem>>) attributes {dimension_semantics = [#tpu.dimension_semantics<arbitrary>], iteration_bounds = array<i64: 64>, scalar_prefetch = 0 : i64, scratch_operands = 0 : i64, tpu.core_type = #tpu.core_type<tc>, window_params = [{transform_indices = @transform_0, window_bounds = array<i64: 256, 13, 13>}, {transform_indices = @transform_1, window_bounds = array<i64: 256, 3>}, {transform_indices = @transform_2, window_bounds = array<i64: 256, 200>}, {transform_indices = @transform_3, window_bounds = array<i64: 256, 3>}, {pipeline_mode = #tpu.pipeline_mode<synchronous>, transform_indices = @transform_4, window_bounds = array<i64: 13, 13>}, {transform_indices = @transform_5, window_bounds = array<i64: 256, 13, 13>}, {transform_indices = @transform_6, window_bounds = array<i64: 256, 3>}, {transform_indices = @transform_7, window_bounds = array<i64: 256, 200>}]} {
    %get3A = arith.constant 0 : index
    %get3A_0 = arith.constant 0 : index
    %get3A_1 = arith.constant 0 : index
    %get3A_2 = vector.load %arg1[%get3A, %get3A_0, %get3A_1] : memref<256x13x13xf32, #tpu.memory_space<vmem>>, vector<256x13x13xf32>
    %iota3A = tpu.iota {dimensions = array<i32: 1>} : vector<256x13x13xi32>
    %eq3A = arith.constant 0 : i32
    %eq3A_3 = vector.broadcast %eq3A : i32 to vector<256x13x13xi32>
    %eq3A_4 = arith.cmpi eq, %iota3A, %eq3A_3 : vector<256x13x13xi32>
    %jit3A = arith.constant 1.000000e+00 : f32
    %broadcast_in_dim3A = vector.broadcast %jit3A : f32 to vector<256x13x13xf32>
    %select_n3A = arith.select %eq3A_4, %broadcast_in_dim3A, %get3A_2 : vector<256x13x13xi1>, vector<256x13x13xf32>
    %get3A_5 = arith.constant 0 : index
    %get3A_6 = arith.constant 0 : index
    %get3A_7 = vector.load %arg5[%get3A_5, %get3A_6] : memref<13x13xf32, #tpu.memory_space<vmem>>, vector<13x13xf32>
    %gt3A = arith.constant 0.000000e+00 : f32
    %gt3A_8 = vector.broadcast %gt3A : f32 to vector<13x13xf32>
    %gt3A_9 = arith.cmpf ogt, %get3A_7, %gt3A_8 : vector<13x13xf32>
    %broadcast_in_dim3A_10 = vector.shape_cast %gt3A_9 : vector<13x13xi1> to vector<1x13x13xi1>
    %exp3A = math.exp %select_n3A : vector<256x13x13xf32>
    %jit3A_11 = arith.constant 0.000000e+00 : f32
    %broadcast_in_dim3A_12 = vector.shape_cast %broadcast_in_dim3A_10 : vector<1x13x13xi1> to vector<1x13x13xi1>
    %broadcast_in_dim3A_13 = vector.broadcast %broadcast_in_dim3A_12 : vector<1x13x13xi1> to vector<256x13x13xi1>
    %broadcast_in_dim3A_14 = vector.broadcast %jit3A_11 : f32 to vector<256x13x13xf32>
    %select_n3A_15 = arith.select %broadcast_in_dim3A_13, %exp3A, %broadcast_in_dim3A_14 : vector<256x13x13xi1>, vector<256x13x13xf32>
    %reduce_sum3A = arith.constant dense<0.000000e+00> : vector<256x13xf32>
    %reduce_sum3A_16 = vector.multi_reduction <add>, %select_n3A_15, %reduce_sum3A [2] : vector<256x13x13xf32> to vector<256x13xf32>
    %broadcast_in_dim3A_17 = vector.shape_cast %reduce_sum3A_16 : vector<256x13xf32> to vector<256x13x1xf32>
    %div3A = vector.broadcast %broadcast_in_dim3A_17 : vector<256x13x1xf32> to vector<256x13x13xf32>
    %div3A_18 = arith.divf %select_n3A_15, %div3A : vector<256x13x13xf32>
    %swap3A = arith.constant 0 : index
    %swap3A_19 = arith.constant 0 : index
    %swap3A_20 = arith.constant 0 : index
    %swap3A_21 = vector.load %arg6[%swap3A, %swap3A_19, %swap3A_20] : memref<256x13x13xf32, #tpu.memory_space<vmem>>, vector<256x13x13xf32>
    tpu.vector_store %arg6[%swap3A, %swap3A_19, %swap3A_20], %div3A_18 {strides = array<i32>} : memref<256x13x13xf32, #tpu.memory_space<vmem>>, vector<256x13x13xf32>,
    %get3A_22 = arith.constant 0 : index
    %get3A_23 = arith.constant 0 : index
    %get3A_24 = vector.load %arg2[%get3A_22, %get3A_23] : memref<256x3xf32, #tpu.memory_space<vmem>>, vector<256x3xf32>
    %get3A_25 = arith.constant 0 : index
    %get3A_26 = arith.constant 0 : index
    %get3A_27 = vector.load %arg4[%get3A_25, %get3A_26] : memref<256x3xf32, #tpu.memory_space<vmem>>, vector<256x3xf32>
    %gt3A_28 = arith.constant 0.000000e+00 : f32
    %gt3A_29 = vector.broadcast %gt3A_28 : f32 to vector<256x3xf32>
    %gt3A_30 = arith.cmpf ogt, %get3A_27, %gt3A_29 : vector<256x3xf32>
    %exp3A_31 = math.exp %get3A_24 : vector<256x3xf32>
    %jit3A_32 = arith.constant 0.000000e+00 : f32
    %broadcast_in_dim3A_33 = vector.broadcast %jit3A_32 : f32 to vector<256x3xf32>
    %select_n3A_34 = arith.select %gt3A_30, %exp3A_31, %broadcast_in_dim3A_33 : vector<256x3xi1>, vector<256x3xf32>
    %reduce_sum3A_35 = arith.constant dense<0.000000e+00> : vector<256xf32>
    %reduce_sum3A_36 = vector.multi_reduction <add>, %select_n3A_34, %reduce_sum3A_35 [1] : vector<256x3xf32> to vector<256xf32>
    %broadcast_in_dim3A_37 = vector.shape_cast %reduce_sum3A_36 : vector<256xf32> to vector<256x1xf32>
    %div3A_38 = vector.broadcast %broadcast_in_dim3A_37 : vector<256x1xf32> to vector<256x3xf32>
    %div3A_39 = arith.divf %select_n3A_34, %div3A_38 : vector<256x3xf32>
    %swap3A_40 = arith.constant 0 : index
    %swap3A_41 = arith.constant 0 : index
    %swap3A_42 = vector.load %arg7[%swap3A_40, %swap3A_41] : memref<256x3xf32, #tpu.memory_space<vmem>>, vector<256x3xf32>
    tpu.vector_store %arg7[%swap3A_40, %swap3A_41], %div3A_39 {strides = array<i32>} : memref<256x3xf32, #tpu.memory_space<vmem>>, vector<256x3xf32>,
    %get3A_43 = arith.constant 0 : index
    %get3A_44 = arith.constant 0 : index
    %get3A_45 = vector.load %arg3[%get3A_43, %get3A_44] : memref<256x200xi32, #tpu.memory_space<vmem>>, vector<256x200xi32>
    %mul3A = arith.constant 256 : i32
    %mul3A_46 = arith.muli %arg0, %mul3A : i32
    %iota3A_47 = tpu.iota {dimensions = array<i32: 0>} : vector<256x200xi32>
    %add3A = vector.broadcast %mul3A_46 : i32 to vector<256x200xi32>
    %add3A_48 = arith.addi %add3A, %iota3A_47 : vector<256x200xi32>
    %mul3A_49 = arith.constant 13 : i32
    %mul3A_50 = vector.broadcast %mul3A_49 : i32 to vector<256x200xi32>
    %mul3A_51 = arith.muli %mul3A_50, %add3A_48 : vector<256x200xi32>
    %add3A_52 = arith.addi %get3A_45, %mul3A_51 : vector<256x200xi32>
    %swap3A_53 = arith.constant 0 : index
    %swap3A_54 = arith.constant 0 : index
    %swap3A_55 = vector.load %arg8[%swap3A_53, %swap3A_54] : memref<256x200xi32, #tpu.memory_space<vmem>>, vector<256x200xi32>
    tpu.vector_store %arg8[%swap3A_53, %swap3A_54], %add3A_52 {strides = array<i32>} : memref<256x200xi32, #tpu.memory_space<vmem>>, vector<256x200xi32>,
    return
  }
  func.func @transform_0(%arg0: i32) -> (i32, i32, i32) {
    %c0_i32 = arith.constant 0 : i32
    %c0_i32_0 = arith.constant 0 : i32
    %c0_i32_1 = arith.constant 0 : i32
    return %arg0, %c0_i32, %c0_i32_0 : i32, i32, i32
  }
  func.func @transform_1(%arg0: i32) -> (i32, i32) {
    %c0_i32 = arith.constant 0 : i32
    %c0_i32_0 = arith.constant 0 : i32
    return %arg0, %c0_i32 : i32, i32
  }
  func.func @transform_2(%arg0: i32) -> (i32, i32) {
    %c0_i32 = arith.constant 0 : i32
    %c0_i32_0 = arith.constant 0 : i32
    return %arg0, %c0_i32 : i32, i32
  }
  func.func @transform_3(%arg0: i32) -> (i32, i32) {
    %c0_i32 = arith.constant 0 : i32
    %c0_i32_0 = arith.constant 0 : i32
    return %arg0, %c0_i32 : i32, i32
  }
  func.func @transform_4(%arg0: i32) -> (i32, i32) {
    %c0_i32 = arith.constant 0 : i32
    %c0_i32_0 = arith.constant 0 : i32
    %c0_i32_1 = arith.constant 0 : i32
    return %c0_i32, %c0_i32_0 : i32, i32
  }
  func.func @transform_5(%arg0: i32) -> (i32, i32, i32) {
    %c0_i32 = arith.constant 0 : i32
    %c0_i32_0 = arith.constant 0 : i32
    %c0_i32_1 = arith.constant 0 : i32
    return %arg0, %c0_i32, %c0_i32_0 : i32, i32, i32
  }
  func.func @transform_6(%arg0: i32) -> (i32, i32) {
    %c0_i32 = arith.constant 0 : i32
    %c0_i32_0 = arith.constant 0 : i32
    return %arg0, %c0_i32 : i32, i32
  }
  func.func @transform_7(%arg0: i32) -> (i32, i32) {
    %c0_i32 = arith.constant 0 : i32
    %c0_i32_0 = arith.constant 0 : i32
    return %arg0, %c0_i32 : i32, i32
  }
}

</mosaic_0001>

<sc_bundles>
// kernel: kernel.4.cloned.1.call-start
scs
__scs_entry_jumppad:
0x0: {  	(pc) =	sbr.rel $0x88, $3  }
0x1: {  	(tag) =	ssettag $0x0;
	lr =	simm.s32 $0x1  }
0x2: {  	[smem:$0x3F9D] =	sst lr;
	_ =	strace $0xD0000000  }
0x3: {  	_ = 	snop  }
0x4: {  	_ = 	snop  }
0x5: {  	_ = 	snop  }
0x6: {  	_ = 	snop  }
0x7: {  	_ = 	snop  }
__scs_overlays_trampoline_lowered:
0x8: {  	[smem:$0x3FAC] =	sst s0  }
0x9: {  	[smem:$0x3FAD] =	sst s1  }
0xa: {  	[smem:$0x3FAE] =	sst s2  }
0xb: {  	[smem:$0x3FAF] =	sst s3  }
0xc: {  	[smem:$0x3FB0] =	sst s4  }
0xd: {  	[smem:$0x3FB1] =	sst s5  }
0xe: {  	[smem:$0x3FB2] =	sst s6  }
0xf: {  	[smem:$0x3FB3] =	sst s7  }
0x10: {  	[smem:$0x3FB4] =	sst s8  }
0x11: {  	[smem:$0x3FB5] =	sst s9;
	s0 =	simm.s32 @!p0 $0x0  }
0x12: {  	s1 =	sld [smem:$0x3F9B];
	s0 =	simm.s32 @p0 $0x1  }
0x13: {  	[smem:$0x3FB6] =	sst s0;
	s0 =	simm.s32 @!p1 $0x0  }
0x14: {  	s2 =	sld [smem:$0x3F9A];
	s0 =	simm.s32 @p1 $0x1  }
0x15: {  	[smem:$0x3FB7] =	sst s0;
	s0 =	simm.s32 @!p2 $0x0  }
0x16: {  	s3 =	sld [smem:$0x3FDB];
	s0 =	simm.s32 @p2 $0x1  }
0x17: {  	s4 =	simm.s32 $0x1BF5;
	[smem:$0x3FB9] =	sst s0  }
0x18: {  	s0 =	sld [smem:$0x3F9C];
	_ =	swait.ge [sflag:s4], $0x0  }
0x19: {  	s7 =	sld [smem:$0x3F9D]  }
0x1a: {  	s8 =	sadd.s32 $0xFFFFE003, lr  }
0x1b: {  	s9 =	sadd.s32 $0xFFFFFEF7, lr;
	s5 =	simm.s32 $0xFFFFFFFF;
	p2 =	slt.u32 s8, $0xFFFFF086  }
0x1c: {  	p1 =	slt.u32 s9, $0xF7A;
	s5 =	simm.s32 @!p2 $0x0  }
0x1d: {  	s5 =	simm.s32 @p1 $0x1;
	p0 =	seq.s32 s7, s2  }
0x1e: {  	s7 =	smul.u32 @!p0 $0xF7A, s2;
	p2 =	seq.s32 @!p0 s5, $0x0  }
0x1f: {  	s9 =	smul.u32 $0xF7A, s1;
	s8 =	simm.s32 @!p0 $0x1BF5;
	p2 =	por !p2, p0  }
0x20: {  	[sflag:s8] =	ssyncset.s32 @!p0 $0xFFFFF086;
	s6 =	sadd.s32 @!p0 s3, s7;
	s7 =	simm.s32 @!p0 $0x108  }
0x21: {  	s3 =	sadd.s32 s3, s9;
	s6 =	sadd.s32 @!p0 $0x88, s6;
	s7 =	simm.s32 @p2 $0x1082  }
0x22: {  	[simem:s7], [sflag:s8] =	dma.local @!p0 [hbm:s6], $0xF7A  }
0x23: {  	s9 =	sor.u32 $0xD0000000, s2;
	s6 =	simm.s32 $0x108;
	_ =	swait.ge @!p0 [sflag:s8], $0x0  }
0x24: {  	s3 =	sadd.s32 $0x88, s3;
	s6 =	simm.s32 @!p1 $0x1082;
	[sflag:s4] =	ssyncset.s32 $0xFFFFF086  }
0x25: {  	[simem:s6], [sflag:s4] =	dma.local [hbm:s3], $0xF7A  }
0x26: {  	[smem:$0x3F9D] =	sst s1;
	(tag) =	ssettag s2;
	_ =	strace s9  }
0x27: {  	s1 =	sld [smem:$0x3FAD]  }
0x28: {  	s2 =	sld [smem:$0x3FAE]  }
0x29: {  	s4 =	sld [smem:$0x3FB0]  }
0x2a: {  	p0 =	seq.s32 s5, $0x0;
	s5 =	sld [smem:$0x3FB1]  }
0x2b: {  	s6 =	sld [smem:$0x3FB2]  }
0x2c: {  	s7 =	sld [smem:$0x3FB3]  }
0x2d: {  	s3 =	simm.s32 $0x108;
	s8 =	sld [smem:$0x3FB4]  }
0x2e: {  	s3 =	simm.s32 @!p0 $0x1082;
	s9 =	sld [smem:$0x3FB5]  }
0x2f: {  	lr =	sadd.s32 s0, s3;
	s0 =	sld [smem:$0x3FAC]  }
0x30: {  	s3 =	sld [smem:$0x3FAF]  }
0x31: {  	[smem:$0x3FB8] =	sst s10  }
0x32: {  	s10 =	sld [smem:$0x3FB6];
	_ =	sdelay $0x3  }
0x33: {  	p0 =	seq.s32 s10, $0x1;
	s10 =	sld [smem:$0x3FB8];
	_ =	sdelay $0x3  }
0x34: {  	[smem:$0x3FB8] =	sst s10  }
0x35: {  	s10 =	sld [smem:$0x3FB7];
	_ =	sdelay $0x3  }
0x36: {  	p1 =	seq.s32 s10, $0x1;
	s10 =	sld [smem:$0x3FB8];
	_ =	sdelay $0x3  }
0x37: {  	[smem:$0x3FB8] =	sst s10  }
0x38: {  	s10 =	sld [smem:$0x3FB9]  }
0x39: {  	_ = 	snop;
	(pc) =	sbr.ind lr, $3  }
0x3a: {  	_ = 	snop  }
0x3b: {  	_ = 	snop  }
0x3c: {  	p2 =	seq.s32 s10, $0x1;
	s10 =	sld [smem:$0x3FB8]  }
0x3d: {  	_ =	shalt  }
0x3e: {  	_ =	shalt  }
0x3f: {  	_ =	shalt  }
0x40: {  	_ =	shalt  }
0x41: {  	_ =	shalt  }
0x42: {  	_ =	shalt  }
0x43: {  	_ =	shalt  }
0x44: {  	_ =	shalt  }
0x45: {  	_ =	shalt  }
0x46: {  	_ =	shalt  }
0x47: {  	_ =	shalt  }
0x48: {  	_ =	shalt  }
0x49: {  	_ =	shalt  }
0x4a: {  	_ =	shalt  }
0x4b: {  	_ =	shalt  }
0x4c: {  	_ =	shalt  }
0x4d: {  	_ =	shalt  }
0x4e: {  	_ =	shalt  }
0x4f: {  	_ =	shalt  }
0x50: {  	_ =	shalt  }
0x51: {  	_ =	shalt  }
0x52: {  	_ =	shalt  }
0x53: {  	_ =	shalt  }
0x54: {  	_ =	shalt  }
0x55: {  	_ =	shalt  }
0x56: {  	_ =	shalt  }
0x57: {  	_ =	shalt  }
0x58: {  	_ =	shalt  }
0x59: {  	_ =	shalt  }
0x5a: {  	_ =	shalt  }
0x5b: {  	_ =	shalt  }
0x5c: {  	_ =	shalt  }
0x5d: {  	_ =	shalt  }
0x5e: {  	_ =	shalt  }
0x5f: {  	_ =	shalt  }
0x60: {  	_ =	shalt  }
0x61: {  	_ =	shalt  }
0x62: {  	_ =	shalt  }
0x63: {  	_ =	shalt  }
0x64: {  	_ =	shalt  }
0x65: {  	_ =	shalt  }
0x66: {  	_ =	shalt  }
0x67: {  	_ =	shalt  }
0x68: {  	_ =	shalt  }
0x69: {  	_ =	shalt  }
0x6a: {  	_ =	shalt  }
0x6b: {  	_ =	shalt  }
0x6c: {  	_ =	shalt  }
0x6d: {  	_ =	shalt  }
0x6e: {  	_ =	shalt  }
0x6f: {  	_ =	shalt  }
0x70: {  	_ =	shalt  }
0x71: {  	_ =	shalt  }
0x72: {  	_ =	shalt  }
0x73: {  	_ =	shalt  }
0x74: {  	_ =	shalt  }
0x75: {  	_ =	shalt  }
0x76: {  	_ =	shalt  }
0x77: {  	_ =	shalt  }
0x78: {  	_ =	shalt  }
0x79: {  	_ =	shalt  }
0x7a: {  	_ =	shalt  }
0x7b: {  	_ =	shalt  }
0x7c: {  	_ =	shalt  }
0x7d: {  	_ =	shalt  }
0x7e: {  	_ =	shalt  }
0x7f: {  	_ =	shalt  }
0x80: {  	_ =	shalt  }
0x81: {  	_ =	shalt  }
0x82: {  	_ =	shalt  }
0x83: {  	_ =	shalt  }
0x84: {  	_ =	shalt  }
0x85: {  	_ =	shalt  }
0x86: {  	_ =	shalt  }
0x87: {  	_ =	shalt  }
.Lfunc_end0:
.L_simem_size_0:
called_computation.1_lowered:
.L_overlay_start_0:
0x88: {  	s2 =	sld [smem:$0x3FD9]  }
0x89: {  	s3 =	sld [smem:$0x3FFE];
	_ =	sdelay $0x1  }
0x8a: {  	s1 =	srdreg.scid  }
0x8b: {  	s0 =	sand.u32 $0x1, s1  }
0x8c: {  	s14 =	sshll.u32 s0, $0xA;
	s2 =	sadd.s32 s3, s2  }
0x8d: {  	s2 =	sadd.s32 s2, s14  }
0x8e: {  	[smem:$0x3FC4] =	sst s2  }
0x8f: {  	_ = 	snop  }
0x90: {  	s2 =	sld [smem:$0x3FD0];
	_ =	sdelay $0x2  }
0x91: {  	s15 =	simm.s32 $0xA;
	s4 =	simm.s32 $0x10  }
0x92: {  	[smem:s4], [sflag:s15] =	dma.local [hbm:s2], $0x1  }
0x93: {  	_ =	swait.eq [sflag:s15], $0x1  }
0x94: {  	[sflag:s15] =	ssyncset.done $0x0  }
0x95: {  	[sflag:s15] =	ssyncadd.s32 $0xFFFFFFFF  }
0x96: {  	s16 =	sld [smem:$0x10];
	(tm) =	ssettm $0x1  }
0x97: {  	s17 =	sld [smem:$0x3FFB];
	_ =	sdelay $0x3  }
0x98: {  	_ =	strace s17  }
0x99: {  	s3 =	sld [smem:$0x3FFC];
	_ =	sdelay $0x3  }
0x9a: {  	_ =	strace s3  }
0x9b: {  	s3 =	sld [smem:$0x3FFD];
	_ =	sdelay $0x3  }
0x9c: {  	_ =	strace s3  }
0x9d: {  	_ =	strace $0x8FFFFFFF  }
0x9e: {  	s18 =	sld [smem:$0x3FDB];
	_ =	sdelay $0x1  }
0x9f: {  	s19 =	simm.s32 $_scs_section_size  }
0xa0: {  	s5 =	simm.s32 $_size__tile_overlayer_lowered;
	s6 =	simm.s32 $_tile_overlayer_lowered  }
0xa1: {  	s22 =	simm.s32 $0x1BFF;
	s21 =	sshll.u32 s6, $0x1;
	s3 =	sadd.s32 s19, s18  }
0xa2: {  	s7 =	simm.s32 $0x0;
	s20 =	sshll.u32 s5, $0x1;
	s5 =	sadd.s32 s21, s3  }
0xa3: {  	[timem:s7], [sflag:s22] =	dma.local [hbm:s5], s20  }
0xa4: {  	_ =	swait.ge [sflag:s22], s20  }
0xa5: {  	s4 =	ssub.s32 $0x0, s20;
	[sflag:s22] =	ssyncset.done $0x0  }
0xa6: {  	[sflag:s22] =	ssyncadd.s32 s4;
	_ =	sdelay $0x1  }
0xa7: {  	s23 =	simm.s32 $0x1B8B  }
0xa8: {  	_ =	swait.ge [sflag:s23], $0x1  }
0xa9: {  	[sflag:s23] =	ssyncset.done $0x0  }
0xaa: {  	s25 =	simm.s32 $0x1B8E;
	s24 =	sld [smem:$0x3FFE];
	[sflag:s23] =	ssyncadd.s32 $0xFFFFFFFF  }
0xab: {  	s26 =	simm.s32 $execute0_lowered;
	[smem:$0x3FD2] =	sst s25  }
0xac: {  	s5 =	sshll.u32 s26, $0x1;
	_ =	strace $0x80000046;
	[dreg:$0x1] =	wrdreg $0xFFFFFFFF  }
0xad: {  	s28 =	simm.s32 $_size_execute0_lowered;
	s3 =	sadd.s32 s3, s5;
	[dreg:$0x0] =	wrdreg $0x0  }
0xae: {  	s5 =	sshll.u32 s28, $0x1;
	[dreg:$0x2] =	wrdreg s3  }
0xaf: {  	[dreg:$0x3] =	wrdreg s5  }
0xb0: {  	[dreg:$0x4] =	wrdreg $0xC0  }
0xb1: {  	_ =	task [dreg:s7], $0x5FFFF  }
0xb2: {  	[dreg:$0x1] =	wrdreg $0xFFFFFFFF  }
0xb3: {  	[dreg:$0x0] =	wrdreg $0x60  }
0xb4: {  	[dreg:$0x2] =	wrdreg s16  }
0xb5: {  	[dreg:$0x3] =	wrdreg s24  }
0xb6: {  	[dreg:$0x4] =	wrdreg $0x9  }
0xb7: {  	_ =	task.clear_ibuf [dreg:s7], $0x5FFFF;
	_ =	strace $0x90000046  }
0xb8: {  	s29 =	simm.s32 $0x9;
	_ =	strace $0x80000048  }
0xb9: {  	_ =	swait.ge [sflag:s29], $0x1  }
0xba: {  	[sflag:s29] =	ssyncadd.s32 $0xFFFFFFFF  }
0xbb: {  	_ =	strace $0x90000048  }
0xbc: {  	_ =	sfence  }
0xbd: {  	s30 =	sld [smem:$0x0];
	_ =	sdelay $0x2  }
0xbe: {  	s31 =	sshll.u32 s1, $0xD;
	s1 =	sshrl.u32 s1, $0x2  }
0xbf: {  	s3 =	sand.u32 $0x4000, s31;
	s1 =	sadd.s32 s1, s30  }
0xc0: {  	s0 =	sor.u32 s3, s0;
	s1 =	sshll.u32 s1, $0x11  }
0xc1: {  	s0 =	sor.u32 s1, s0  }
0xc2: {  	s0 =	sadd.s32 $0x8F2B, s0  }
0xc3: {  	[sflag:s0] =	ssyncadd.remote.s32 $0x1  }
0xc4: {  	_ =	sfence.sel $0xFFFF  }
0xc5: {  	[dreg:$0x0] =	wrdreg $0xFFFFFFFF;
	(pc) =	sbr.abs _section_cstart, $3  }
0xc6: {  	[dreg:$0x1] =	wrdreg $0xFFFFFFFF  }
0xc7: {  	_ =	task.clear_ibuf [dreg:s7], $0x2FFFF;
	_ =	strace $0x9FFFFFFF  }
0xc8: {  	(tm) =	ssettm $0x7FFFFFFF  }
0xc9: {  	_ =	shalt  }
tec
execute0_lowered:
.L_overlay_start_1:
0x0: {  	(tag) =	ssettag $0x1  }
0x1: {  	s0 =	stileid.u32;
	s1 =	srdreg.scid  }
0x2: {  	s23 =	rddreg [dreg:$0x0];
	s4 =	sand.u32 $0x1, s1;
	s10 =	smul.u32 $0x320000, s0  }
0x3: {  	s5 =	rddreg [dreg:$0x1];
	s2 =	simm.s32 $0x0;
	s3 =	smul.u32 $0x190000, s4  }
0x4: {  	[smem:$0x7FF] =	sst s2  }
0x5: {  	s7 =	sadd.s32 $0x566000, s5;
	_ =	strace $0x80000047;
	s1 =	sadd.s32 s3, s10  }
0x6: {  	s6 =	sor.u32 $0xBB80, s1;
	s8 =	sor.u32 $0xAF00, s1;
	s12 =	sor.u32 $0xA280, s1  }
0x7: {  	s19 =	sor.u32 $0x7080, s1;
	s24 =	sor.u32 $0x6400, s1;
	s28 =	sor.u32 $0x4B00, s1  }
0x8: {  	s10 =	sor.u32 $0x2580, s1;
	s6 =	sshrl.u32 s6, $0x3;
	s11 =	sshrl.u32 s8, $0x3  }
0x9: {  	s8 =	sshrl.u32 s12, $0x3;
	s21 =	sshrl.u32 s19, $0x3;
	s19 =	simm.s32 $0x1480  }
0xa: {  	s25 =	sshrl.u32 s24, $0x3;
	s24 =	simm.s32 $0x2480;
	[dreg:$0x13] =	wrdreg s19  }
0xb: {  	s30 =	sshrl.u32 s28, $0x3;
	s28 =	simm.s32 $0x280;
	[dreg:$0x17] =	wrdreg s24  }
0xc: {  	s12 =	sshrl.u32 s10, $0x3;
	s10 =	simm.s32 $0x5480;
	[dreg:$0x1a] =	wrdreg s28  }
0xd: {  	s9 =	sor.u32 $0x9600, s1;
	s6 =	sadd.s32 s6, s7;
	[smem:$0x7D5] =	sst s10  }
0xe: {  	s14 =	sshrl.u32 s9, $0x3;
	s13 =	sadd.s32 s8, s7;
	[dreg:$0x3] =	wrdreg s6  }
0xf: {  	s15 =	sadd.s32 s14, s7;
	[dreg:$0x5] =	wrdreg s13  }
0x10: {  	s22 =	sadd.s32 s21, s7;
	[dreg:$0x6] =	wrdreg s15  }
0x11: {  	s31 =	sadd.s32 s30, s7;
	[dreg:$0x9] =	wrdreg s22  }
0x12: {  	s21 =	simm.s32 $0x1C80;
	[dreg:$0xc] =	wrdreg s31  }
0x13: {  	s30 =	simm.s32 $0x300;
	[dreg:$0x15] =	wrdreg s21  }
0x14: {  	s19 =	simm.s32 $0x700;
	[dreg:$0x1c] =	wrdreg s30  }
0x15: {  	s24 =	simm.s32 $0x800;
	[smem:$0x7DE] =	sst s19  }
0x16: {  	s28 =	simm.s32 $0x9480;
	[smem:$0x7E2] =	sst s24  }
0x17: {  	s18 =	sor.u32 $0x7D00, s1;
	s10 =	simm.s32 $0xB00;
	[smem:$0x7E5] =	sst s28  }
0x18: {  	s8 =	sshrl.u32 s18, $0x3;
	s6 =	sadd.s32 s11, s7;
	[smem:$0x7EE] =	sst s10  }
0x19: {  	s20 =	sadd.s32 s8, s7;
	[dreg:$0x4] =	wrdreg s6  }
0x1a: {  	s13 =	sadd.s32 s12, s7;
	[dreg:$0x8] =	wrdreg s20  }
0x1b: {  	s26 =	sor.u32 $0x5780, s1;
	s22 =	simm.s32 $0x180;
	[dreg:$0xf] =	wrdreg s13  }
0x1c: {  	s8 =	sshrl.u32 s26, $0x3;
	s26 =	simm.s32 $0x2C80;
	[dreg:$0x16] =	wrdreg s22  }
0x1d: {  	s16 =	sor.u32 $0x8980, s1;
	s31 =	simm.s32 $0x3C80;
	[dreg:$0x19] =	wrdreg s26  }
0x1e: {  	s3 =	sor.u32 $0x3E80, s1;
	s12 =	simm.s32 $0x5C80;
	[dreg:$0x1d] =	wrdreg s31  }
0x1f: {  	s17 =	sshrl.u32 s16, $0x3;
	s21 =	simm.s32 $0x780;
	[smem:$0x7D7] =	sst s12  }
0x20: {  	s9 =	sor.u32 $0x3200, s1;
	s30 =	simm.s32 $0x9C80;
	[smem:$0x7E0] =	sst s21  }
0x21: {  	s14 =	sor.u32 $0x1900, s1;
	s19 =	simm.s32 $0x1900;
	[smem:$0x7E7] =	sst s30  }
0x22: {  	s1 =	sor.u32 $0xC80, s1;
	s6 =	sadd.s32 s17, s7;
	[smem:$0x7F4] =	sst s19  }
0x23: {  	s1 =	sshrl.u32 s1, $0x3;
	s29 =	sadd.s32 s8, s7;
	[dreg:$0x7] =	wrdreg s6  }
0x24: {  	s1 =	sadd.s32 s1, s7;
	[dreg:$0xb] =	wrdreg s29  }
0x25: {  	s20 =	simm.s32 $0x100;
	[dreg:$0x11] =	wrdreg s1  }
0x26: {  	s8 =	sshrl.u32 s3, $0x3;
	s3 =	simm.s32 $0x380;
	[dreg:$0x14] =	wrdreg s20  }
0x27: {  	s13 =	simm.s32 $0x580;
	[dreg:$0x1e] =	wrdreg s3  }
0x28: {  	s22 =	simm.s32 $0x8480;
	[smem:$0x7D8] =	sst s13  }
0x29: {  	s26 =	simm.s32 $0x880;
	[smem:$0x7E1] =	sst s22  }
0x2a: {  	s31 =	simm.s32 $0x980;
	[smem:$0x7E4] =	sst s26  }
0x2b: {  	s30 =	simm.s32 $0x6400;
	[smem:$0x7E8] =	sst s31  }
0x2c: {  	s6 =	sadd.s32 s25, s7;
	[smem:$0x7FC] =	sst s30  }
0x2d: {  	s15 =	smul.u32 $0x64000, s0;
	s25 =	simm.s32 $0x200;
	[dreg:$0xa] =	wrdreg s6  }
0x2e: {  	s29 =	simm.s32 $0x3480;
	[dreg:$0x18] =	wrdreg s25  }
0x2f: {  	s17 =	sadd.s32 s15, s7;
	s15 =	simm.s32 $0x600;
	[dreg:$0x1b] =	wrdreg s29  }
0x30: {  	s20 =	simm.s32 $0x7C80;
	[smem:$0x7DA] =	sst s15  }
0x31: {  	s3 =	simm.s32 $0xA480;
	[smem:$0x7DF] =	sst s20  }
0x32: {  	s13 =	simm.s32 $0xB80;
	[smem:$0x7E9] =	sst s3  }
0x33: {  	s22 =	simm.s32 $0x3200;
	[smem:$0x7F0] =	sst s13  }
0x34: {  	s26 =	simm.s32 $0x4B00;
	[smem:$0x7F7] =	sst s22  }
0x35: {  	s16 =	smul.u32 $0x32000, s4;
	s31 =	simm.s32 $0x7080;
	[smem:$0x7FA] =	sst s26  }
0x36: {  	s6 =	sadd.s32 s8, s7;
	[smem:$0x7FD] =	sst s31  }
0x37: {  	s18 =	sadd.s32 s16, s17;
	[dreg:$0xd] =	wrdreg s6  }
0x38: {  	s8 =	sshrl.u32 s9, $0x3;
	s9 =	simm.s32 $0x480;
	[dreg:$0x12] =	wrdreg s18  }
0x39: {  	s16 =	simm.s32 $0x6C80;
	[smem:$0x7D4] =	sst s9  }
0x3a: {  	s17 =	simm.s32 $0x680;
	[smem:$0x7DB] =	sst s16  }
0x3b: {  	s25 =	simm.s32 $0x8C80;
	[smem:$0x7DC] =	sst s17  }
0x3c: {  	s29 =	simm.s32 $0x900;
	[smem:$0x7E3] =	sst s25  }
0x3d: {  	s15 =	simm.s32 $0xC00;
	[smem:$0x7E6] =	sst s29  }
0x3e: {  	s10 =	simm.s32 $0xA280;
	s20 =	simm.s32 $0x2580;
	[smem:$0x7F2] =	sst s15  }
0x3f: {  	s12 =	smul.u32 $0x6400, s0;
	s11 =	sadd.s32 s8, s7;
	[smem:$0x7F5] =	sst s20  }
0x40: {  	s21 =	smul.u32 $0x3200, s4;
	s8 =	simm.s32 $0x4C80;
	[dreg:$0xe] =	wrdreg s11  }
0x41: {  	s6 =	sshrl.u32 s14, $0x3;
	s14 =	simm.s32 $0x6480;
	[smem:$0x7D3] =	sst s8  }
0x42: {  	s1 =	simm.s32 $0x0;
	s18 =	simm.s32 $0x7480;
	[smem:$0x7D9] =	sst s14  }
0x43: {  	s5 =	sadd.s32 s12, s5;
	s9 =	simm.s32 $0xB480;
	[smem:$0x7DD] =	sst s18  }
0x44: {  	s3 =	simm.s32 $0x3;
	s17 =	simm.s32 $0xCC80;
	[smem:$0x7ED] =	sst s9  }
0x45: {  	s12 =	simm.s32 $0xBB80;
	s25 =	simm.s32 $0x3E80;
	[smem:$0x7F3] =	sst s17  }
0x46: {  	s13 =	simm.s32 $0xC800;
	s29 =	simm.s32 $0x5780;
	[smem:$0x7F8] =	sst s25  }
0x47: {  	s22 =	simm.s32 $0x0;
	s6 =	sadd.s32 s6, s7;
	[smem:$0x7FB] =	sst s29  }
0x48: {  	s16 =	ssub.s32 $0x2, s4;
	s7 =	simm.s32 $0x400;
	[dreg:$0x10] =	wrdreg s6  }
0x49: {  	s5 =	sadd.s32 s21, s5;
	s11 =	simm.s32 $0x500;
	[smem:$0x7D2] =	sst s7  }
0x4a: {  	s4 =	simm.s32 $0xC80;
	s8 =	simm.s32 $0xA80;
	[smem:$0x7D6] =	sst s11  }
0x4b: {  	s14 =	simm.s32 $0xC480;
	s18 =	sshrl.u32 s16, $0x1;
	[smem:$0x7EC] =	sst s8  }
0x4c: {  	s28 =	sadd.s32 $0x502000, s5;
	s9 =	simm.s32 $0x1;
	[smem:$0x7F1] =	sst s14  }
0x4d: {  	s5 =	simm.s32 $0x7D00;
	s6 =	simm.s32 $0x4480;
	[smem:$0x7F9] =	sst s28  }
0x4e: {  	s17 =	simm.s32 $0x2;
	s7 =	simm.s32 $0xAC80;
	[dreg:$0x1f] =	wrdreg s6  }
0x4f: {  	s11 =	simm.s32 $0xBC80;
	s6 =	simm.s32 $0xA00;
	[smem:$0x7EB] =	sst s7  }
0x50: {  	s8 =	simm.s32 $0x9600;
	[smem:$0x7EA] =	sst s6;
	s6 =	ssub.s32 s16, s18  }
0x51: {  	[smem:$0x7EF] =	sst s11;
	s7 =	simm.s32 $0x80;
	s24 =	smax.u32 s6, $0x1  }
0x52: {  	s11 =	simm.s32 $0xAF00;
	s6 =	simm.s32 $0x8980;
	[smem:$0x7F6] =	sst s24  }
.LBB2_1:
0x53: {  	s0 =	sld [smem:$0x7F9];
	_ =	sdelay $0x1  }
0x54: {  	[smem:$0x7D1] =	sst s1  }
0x55: {  	[tilespmem:s2], [sflag:$0x3] =	stream.linear.gather [hbm4b:s0+s2], $0xC80, $0x38;
	[tilespmem:$0xD480] =	vst v63  }
0x56: {  	_ =	swait.ge [sflag:s3], $0xC80  }
0x57: {  	s16 =	rddreg [dreg:$0x16]  }
0x58: {  	s19 =	rddreg [dreg:$0x14]  }
0x59: {  	s20 =	rddreg [dreg:$0x13]  }
0x5a: {  	s21 =	rddreg [dreg:$0x15]  }
0x5b: {  	s18 =	rddreg [dreg:$0x17]  }
0x5c: {  	s24 =	rddreg [dreg:$0x18]  }
0x5d: {  	s25 =	rddreg [dreg:$0x1a]  }
0x5e: {  	s26 =	rddreg [dreg:$0x1b]  }
0x5f: {  	s28 =	rddreg [dreg:$0x1c]  }
0x60: {  	s29 =	rddreg [dreg:$0x1d]  }
0x61: {  	[sflag:s3] =	ssyncset.done $0x0;
	s30 =	rddreg [dreg:$0x1e]  }
0x62: {  	s31 =	rddreg [dreg:$0x1f];
	[sflag:s3] =	ssyncadd.s32 $0xFFFFF380  }
0x63: {  	[tilespmem:s4], [sflag:$0x1] =	stream.indirect.gather [hbm4b:s23+s7], $0x10, s2, s7, $0xb8;
	[tilespmem:$0xD480] =	vst v63  }
0x64: {  	s14 =	sld [smem:$0x7D2]  }
0x65: {  	[tilespmem:s20], [sflag:$0x1] =	stream.indirect.gather [hbm4b:s23+s7], $0x10, s7, s7, $0xb8;
	[tilespmem:$0xD480] =	vst v63  }
0x66: {  	s15 =	sld [smem:$0x7D3]  }
0x67: {  	[tilespmem:s21], [sflag:$0x1] =	stream.indirect.gather [hbm4b:s23+s7], $0x10, s19, s7, $0xb8;
	[tilespmem:$0xD480] =	vst v63  }
0x68: {  	s21 =	rddreg [dreg:$0x19]  }
0x69: {  	[tilespmem:s18], [sflag:$0x1] =	stream.indirect.gather [hbm4b:s23+s7], $0x10, s16, s7, $0xb8;
	[tilespmem:$0xD480] =	vst v63  }
0x6a: {  	s16 =	sld [smem:$0x7D5]  }
0x6b: {  	s18 =	sld [smem:$0x7D4]  }
0x6c: {  	[tilespmem:s21], [sflag:$0x1] =	stream.indirect.gather [hbm4b:s23+s7], $0x10, s24, s7, $0xb8;
	[tilespmem:$0xD480] =	vst v63  }
0x6d: {  	s21 =	sld [smem:$0x7D7]  }
0x6e: {  	s24 =	sld [smem:$0x7D6]  }
0x6f: {  	[tilespmem:s26], [sflag:$0x1] =	stream.indirect.gather [hbm4b:s23+s7], $0x10, s25, s7, $0xb8;
	[tilespmem:$0xD480] =	vst v63  }
0x70: {  	s25 =	sld [smem:$0x7D9]  }
0x71: {  	s26 =	sld [smem:$0x7D8]  }
0x72: {  	[tilespmem:s29], [sflag:$0x1] =	stream.indirect.gather [hbm4b:s23+s7], $0x10, s28, s7, $0xb8;
	[tilespmem:$0xD480] =	vst v63  }
0x73: {  	s28 =	sld [smem:$0x7DB]  }
0x74: {  	s29 =	sld [smem:$0x7DA]  }
0x75: {  	[tilespmem:s31], [sflag:$0x1] =	stream.indirect.gather [hbm4b:s23+s7], $0x10, s30, s7, $0xb8;
	[tilespmem:$0xD480] =	vst v63  }
0x76: {  	s30 =	sld [smem:$0x7DD]  }
0x77: {  	s31 =	sld [smem:$0x7DC]  }
0x78: {  	[tilespmem:s15], [sflag:$0x1] =	stream.indirect.gather [hbm4b:s23+s7], $0x10, s14, s7, $0xb8;
	[tilespmem:$0xD480] =	vst v63  }
0x79: {  	s14 =	sld [smem:$0x7DF]  }
0x7a: {  	s15 =	sld [smem:$0x7DE]  }
0x7b: {  	[tilespmem:s16], [sflag:$0x1] =	stream.indirect.gather [hbm4b:s23+s7], $0x10, s18, s7, $0xb8;
	[tilespmem:$0xD480] =	vst v63  }
0x7c: {  	s16 =	sld [smem:$0x7E1]  }
0x7d: {  	s18 =	sld [smem:$0x7E0]  }
0x7e: {  	[tilespmem:s21], [sflag:$0x1] =	stream.indirect.gather [hbm4b:s23+s7], $0x10, s24, s7, $0xb8;
	[tilespmem:$0xD480] =	vst v63  }
0x7f: {  	s21 =	sld [smem:$0x7E3]  }
0x80: {  	s24 =	sld [smem:$0x7E2]  }
0x81: {  	[tilespmem:s25], [sflag:$0x1] =	stream.indirect.gather [hbm4b:s23+s7], $0x10, s26, s7, $0xb8;
	[tilespmem:$0xD480] =	vst v63  }
0x82: {  	s25 =	sld [smem:$0x7E5]  }
0x83: {  	s26 =	sld [smem:$0x7E4]  }
0x84: {  	[tilespmem:s28], [sflag:$0x1] =	stream.indirect.gather [hbm4b:s23+s7], $0x10, s29, s7, $0xb8;
	[tilespmem:$0xD480] =	vst v63  }
0x85: {  	s28 =	sld [smem:$0x7E7]  }
0x86: {  	s29 =	sld [smem:$0x7E6]  }
0x87: {  	[tilespmem:s30], [sflag:$0x1] =	stream.indirect.gather [hbm4b:s23+s7], $0x10, s31, s7, $0xb8;
	[tilespmem:$0xD480] =	vst v63  }
0x88: {  	s30 =	sld [smem:$0x7E9]  }
0x89: {  	s31 =	sld [smem:$0x7E8]  }
0x8a: {  	[tilespmem:s14], [sflag:$0x1] =	stream.indirect.gather [hbm4b:s23+s7], $0x10, s15, s7, $0xb8;
	[tilespmem:$0xD480] =	vst v63  }
0x8b: {  	s14 =	sld [smem:$0x7EB]  }
0x8c: {  	s15 =	sld [smem:$0x7EA]  }
0x8d: {  	[tilespmem:s16], [sflag:$0x1] =	stream.indirect.gather [hbm4b:s23+s7], $0x10, s18, s7, $0xb8;
	[tilespmem:$0xD480] =	vst v63  }
0x8e: {  	s16 =	sld [smem:$0x7ED]  }
0x8f: {  	[tilespmem:s21], [sflag:$0x1] =	stream.indirect.gather [hbm4b:s23+s7], $0x10, s24, s7, $0xb8;
	[tilespmem:$0xD480] =	vst v63  }
0x90: {  	s18 =	sld [smem:$0x7EC]  }
0x91: {  	[tilespmem:s25], [sflag:$0x1] =	stream.indirect.gather [hbm4b:s23+s7], $0x10, s26, s7, $0xb8;
	[tilespmem:$0xD480] =	vst v63  }
0x92: {  	s24 =	sld [smem:$0x7EF]  }
0x93: {  	[tilespmem:s28], [sflag:$0x1] =	stream.indirect.gather [hbm4b:s23+s7], $0x10, s29, s7, $0xb8;
	[tilespmem:$0xD480] =	vst v63  }
0x94: {  	s25 =	sld [smem:$0x7EE]  }
0x95: {  	[tilespmem:s30], [sflag:$0x1] =	stream.indirect.gather [hbm4b:s23+s7], $0x10, s31, s7, $0xb8;
	[tilespmem:$0xD480] =	vst v63  }
0x96: {  	s26 =	sld [smem:$0x7F1]  }
0x97: {  	[tilespmem:s14], [sflag:$0x1] =	stream.indirect.gather [hbm4b:s23+s7], $0x10, s15, s7, $0xb8;
	[tilespmem:$0xD480] =	vst v63  }
0x98: {  	s28 =	sld [smem:$0x7F0]  }
0x99: {  	[tilespmem:s16], [sflag:$0x1] =	stream.indirect.gather [hbm4b:s23+s7], $0x10, s18, s7, $0xb8;
	[tilespmem:$0xD480] =	vst v63  }
0x9a: {  	s29 =	sld [smem:$0x7F3]  }
0x9b: {  	[tilespmem:s24], [sflag:$0x1] =	stream.indirect.gather [hbm4b:s23+s7], $0x10, s25, s7, $0xb8;
	[tilespmem:$0xD480] =	vst v63  }
0x9c: {  	s30 =	sld [smem:$0x7F2]  }
0x9d: {  	[tilespmem:s26], [sflag:$0x1] =	stream.indirect.gather [hbm4b:s23+s7], $0x10, s28, s7, $0xb8;
	[tilespmem:$0xD480] =	vst v63  }
0x9e: {  	_ = 	snop  }
0x9f: {  	[tilespmem:s29], [sflag:$0x1] =	stream.indirect.gather [hbm4b:s23+s7], $0x10, s30, s7, $0xb8;
	[tilespmem:$0xD480] =	vst v63  }
0xa0: {  	_ =	swait.ge [sflag:s9], $0x800  }
0xa1: {  	[sflag:s9] =	ssyncset.done $0x0  }
0xa2: {  	[sflag:s9] =	ssyncadd.s32 $0xFFFFF800  }
0xa3: {  	_ =	swait.ge [sflag:s9], $0x800  }
0xa4: {  	[sflag:s9] =	ssyncset.done $0x0  }
0xa5: {  	[sflag:s9] =	ssyncadd.s32 $0xFFFFF800  }
0xa6: {  	_ =	swait.ge [sflag:s9], $0x800  }
0xa7: {  	[sflag:s9] =	ssyncset.done $0x0  }
0xa8: {  	[sflag:s9] =	ssyncadd.s32 $0xFFFFF800  }
0xa9: {  	_ =	swait.ge [sflag:s9], $0x800  }
0xaa: {  	[sflag:s9] =	ssyncset.done $0x0  }
0xab: {  	[sflag:s9] =	ssyncadd.s32 $0xFFFFF800  }
0xac: {  	_ =	swait.ge [sflag:s9], $0x800  }
0xad: {  	[sflag:s9] =	ssyncset.done $0x0  }
0xae: {  	[sflag:s9] =	ssyncadd.s32 $0xFFFFF800  }
0xaf: {  	_ =	swait.ge [sflag:s9], $0x800  }
0xb0: {  	[sflag:s9] =	ssyncset.done $0x0  }
0xb1: {  	[sflag:s9] =	ssyncadd.s32 $0xFFFFF800  }
0xb2: {  	_ =	swait.ge [sflag:s9], $0x800  }
0xb3: {  	[sflag:s9] =	ssyncset.done $0x0  }
0xb4: {  	[sflag:s9] =	ssyncadd.s32 $0xFFFFF800  }
0xb5: {  	_ =	swait.ge [sflag:s9], $0x800  }
0xb6: {  	[sflag:s9] =	ssyncset.done $0x0  }
0xb7: {  	[sflag:s9] =	ssyncadd.s32 $0xFFFFF800  }
0xb8: {  	_ =	swait.ge [sflag:s9], $0x800  }
0xb9: {  	[sflag:s9] =	ssyncset.done $0x0  }
0xba: {  	[sflag:s9] =	ssyncadd.s32 $0xFFFFF800  }
0xbb: {  	_ =	swait.ge [sflag:s9], $0x800  }
0xbc: {  	[sflag:s9] =	ssyncset.done $0x0  }
0xbd: {  	[sflag:s9] =	ssyncadd.s32 $0xFFFFF800  }
0xbe: {  	_ =	swait.ge [sflag:s9], $0x800  }
0xbf: {  	[sflag:s9] =	ssyncset.done $0x0  }
0xc0: {  	[sflag:s9] =	ssyncadd.s32 $0xFFFFF800  }
0xc1: {  	_ =	swait.ge [sflag:s9], $0x800  }
0xc2: {  	[sflag:s9] =	ssyncset.done $0x0  }
0xc3: {  	[sflag:s9] =	ssyncadd.s32 $0xFFFFF800  }
0xc4: {  	_ =	swait.ge [sflag:s9], $0x800  }
0xc5: {  	[sflag:s9] =	ssyncset.done $0x0  }
0xc6: {  	[sflag:s9] =	ssyncadd.s32 $0xFFFFF800  }
0xc7: {  	_ =	swait.ge [sflag:s9], $0x800  }
0xc8: {  	[sflag:s9] =	ssyncset.done $0x0  }
0xc9: {  	[sflag:s9] =	ssyncadd.s32 $0xFFFFF800  }
0xca: {  	_ =	swait.ge [sflag:s9], $0x800  }
0xcb: {  	[sflag:s9] =	ssyncset.done $0x0  }
0xcc: {  	[sflag:s9] =	ssyncadd.s32 $0xFFFFF800  }
0xcd: {  	_ =	swait.ge [sflag:s9], $0x800  }
0xce: {  	[sflag:s9] =	ssyncset.done $0x0  }
0xcf: {  	[sflag:s9] =	ssyncadd.s32 $0xFFFFF800  }
0xd0: {  	_ =	swait.ge [sflag:s9], $0x800  }
0xd1: {  	[sflag:s9] =	ssyncset.done $0x0  }
0xd2: {  	[sflag:s9] =	ssyncadd.s32 $0xFFFFF800  }
0xd3: {  	_ =	swait.ge [sflag:s9], $0x800  }
0xd4: {  	[sflag:s9] =	ssyncset.done $0x0  }
0xd5: {  	[sflag:s9] =	ssyncadd.s32 $0xFFFFF800  }
0xd6: {  	_ =	swait.ge [sflag:s9], $0x800  }
0xd7: {  	[sflag:s9] =	ssyncset.done $0x0  }
0xd8: {  	[sflag:s9] =	ssyncadd.s32 $0xFFFFF800  }
0xd9: {  	_ =	swait.ge [sflag:s9], $0x800  }
0xda: {  	[sflag:s9] =	ssyncset.done $0x0  }
0xdb: {  	[sflag:s9] =	ssyncadd.s32 $0xFFFFF800  }
0xdc: {  	_ =	swait.ge [sflag:s9], $0x800  }
0xdd: {  	[sflag:s9] =	ssyncset.done $0x0  }
0xde: {  	[sflag:s9] =	ssyncadd.s32 $0xFFFFF800  }
0xdf: {  	_ =	swait.ge [sflag:s9], $0x800  }
0xe0: {  	[sflag:s9] =	ssyncset.done $0x0  }
0xe1: {  	[sflag:s9] =	ssyncadd.s32 $0xFFFFF800  }
0xe2: {  	_ =	swait.ge [sflag:s9], $0x800  }
0xe3: {  	[sflag:s9] =	ssyncset.done $0x0  }
0xe4: {  	[sflag:s9] =	ssyncadd.s32 $0xFFFFF800  }
0xe5: {  	_ =	swait.ge [sflag:s9], $0x800  }
0xe6: {  	[sflag:s9] =	ssyncset.done $0x0  }
0xe7: {  	[sflag:s9] =	ssyncadd.s32 $0xFFFFF800  }
0xe8: {  	_ =	swait.ge [sflag:s9], $0x800  }
0xe9: {  	s31 =	rddreg [dreg:$0x12]  }
0xea: {  	s14 =	rddreg [dreg:$0x10]  }
0xeb: {  	s15 =	rddreg [dreg:$0x11]  }
0xec: {  	s16 =	sld [smem:$0x7F4]  }
0xed: {  	s18 =	sld [smem:$0x7F5]  }
0xee: {  	s24 =	rddreg [dreg:$0xf]  }
0xef: {  	s25 =	sld [smem:$0x7F7]  }
0xf0: {  	s26 =	sld [smem:$0x7F8]  }
0xf1: {  	[sflag:s9] =	ssyncset.done $0x0;
	s29 =	rddreg [dreg:$0xe]  }
0xf2: {  	s30 =	sld [smem:$0x7FA];
	[sflag:s9] =	ssyncadd.s32 $0xFFFFF800;
	s1 =	sadd.s32 $0x0, s31  }
0xf3: {  	[hbm4b:s1+s2] =	stream.linear.scatter [tilespmem:s4], [sflag:$0x2], $0xC80, $0x38;
	[tilespmem:$0xD480] =	vst v63  }
0xf4: {  	s20 =	sadd.s32 $0x0, s15;
	s31 =	rddreg [dreg:$0xd]  }
0xf5: {  	[hbm4b:s20+s2] =	stream.linear.scatter [tilespmem:s16], [sflag:$0x2], $0xC80, $0x38;
	[tilespmem:$0xD480] =	vst v63  }
0xf6: {  	s19 =	sadd.s32 $0x0, s14;
	s14 =	rddreg [dreg:$0xc]  }
0xf7: {  	[hbm4b:s19+s2] =	stream.linear.scatter [tilespmem:s18], [sflag:$0x2], $0xC80, $0x38;
	[tilespmem:$0xD480] =	vst v63  }
0xf8: {  	s28 =	sadd.s32 $0x0, s24;
	s15 =	rddreg [dreg:$0xb]  }
0xf9: {  	[hbm4b:s28+s2] =	stream.linear.scatter [tilespmem:s25], [sflag:$0x2], $0xC80, $0x38;
	[tilespmem:$0xD480] =	vst v63  }
0xfa: {  	s4 =	sld [smem:$0x7FB];
	s20 =	sadd.s32 $0x0, s29  }
0xfb: {  	[hbm4b:s20+s2] =	stream.linear.scatter [tilespmem:s26], [sflag:$0x2], $0xC80, $0x38;
	[tilespmem:$0xD480] =	vst v63  }
0xfc: {  	s21 =	sadd.s32 $0x0, s31;
	s16 =	sld [smem:$0x7FC]  }
0xfd: {  	[hbm4b:s21+s2] =	stream.linear.scatter [tilespmem:s30], [sflag:$0x2], $0xC80, $0x38;
	[tilespmem:$0xD480] =	vst v63  }
0xfe: {  	s18 =	rddreg [dreg:$0xa];
	s20 =	sadd.s32 $0x0, s14  }
0xff: {  	[hbm4b:s20+s2] =	stream.linear.scatter [tilespmem:s4], [sflag:$0x2], $0xC80, $0x38;
	[tilespmem:$0xD480] =	vst v63  }
0x100: {  	s19 =	sadd.s32 $0x0, s15;
	s20 =	sld [smem:$0x7FD]  }
0x101: {  	[hbm4b:s19+s2] =	stream.linear.scatter [tilespmem:s16], [sflag:$0x2], $0xC80, $0x38;
	[tilespmem:$0xD480] =	vst v63  }
0x102: {  	s1 =	sadd.s32 $0x0, s18;
	s21 =	rddreg [dreg:$0x9]  }
0x103: {  	[hbm4b:s1+s2] =	stream.linear.scatter [tilespmem:s20], [sflag:$0x2], $0xC80, $0x38;
	[tilespmem:$0xD480] =	vst v63  }
0x104: {  	s25 =	rddreg [dreg:$0x8];
	s24 =	sadd.s32 $0x0, s21  }
0x105: {  	[hbm4b:s24+s2] =	stream.linear.scatter [tilespmem:s5], [sflag:$0x2], $0xC80, $0x38;
	[tilespmem:$0xD480] =	vst v63  }
0x106: {  	s26 =	rddreg [dreg:$0x7];
	s19 =	sadd.s32 $0x0, s25  }
0x107: {  	[hbm4b:s19+s2] =	stream.linear.scatter [tilespmem:s6], [sflag:$0x2], $0xC80, $0x38;
	[tilespmem:$0xD480] =	vst v63  }
0x108: {  	s28 =	rddreg [dreg:$0x6];
	s1 =	sadd.s32 $0x0, s26  }
0x109: {  	[hbm4b:s1+s2] =	stream.linear.scatter [tilespmem:s8], [sflag:$0x2], $0xC80, $0x38;
	[tilespmem:$0xD480] =	vst v63  }
0x10a: {  	s29 =	rddreg [dreg:$0x5];
	s19 =	sadd.s32 $0x0, s28  }
0x10b: {  	[hbm4b:s19+s2] =	stream.linear.scatter [tilespmem:s10], [sflag:$0x2], $0xC80, $0x38;
	[tilespmem:$0xD480] =	vst v63  }
0x10c: {  	s30 =	rddreg [dreg:$0x4];
	s1 =	sadd.s32 $0x0, s29  }
0x10d: {  	[hbm4b:s1+s2] =	stream.linear.scatter [tilespmem:s11], [sflag:$0x2], $0xC80, $0x38;
	[tilespmem:$0xD480] =	vst v63  }
0x10e: {  	s31 =	rddreg [dreg:$0x3];
	s19 =	sadd.s32 $0x0, s30  }
0x10f: {  	[hbm4b:s19+s2] =	stream.linear.scatter [tilespmem:s12], [sflag:$0x2], $0xC80, $0x38;
	[tilespmem:$0xD480] =	vst v63  }
0x110: {  	s1 =	sadd.s32 $0x0, s31  }
0x111: {  	[hbm4b:s1+s2] =	stream.linear.scatter [tilespmem:s13], [sflag:$0x2], $0xC80, $0x38;
	[tilespmem:$0xD480] =	vst v63  }
0x112: {  	_ =	swait.ge [sflag:s17], $0xC80  }
0x113: {  	[sflag:s17] =	ssyncset.done $0x0  }
0x114: {  	[sflag:s17] =	ssyncadd.s32 $0xFFFFF380  }
0x115: {  	_ =	swait.ge [sflag:s17], $0xC80  }
0x116: {  	[sflag:s17] =	ssyncset.done $0x0  }
0x117: {  	[sflag:s17] =	ssyncadd.s32 $0xFFFFF380  }
0x118: {  	_ =	swait.ge [sflag:s17], $0xC80  }
0x119: {  	[sflag:s17] =	ssyncset.done $0x0  }
0x11a: {  	[sflag:s17] =	ssyncadd.s32 $0xFFFFF380  }
0x11b: {  	_ =	swait.ge [sflag:s17], $0xC80  }
0x11c: {  	[sflag:s17] =	ssyncset.done $0x0  }
0x11d: {  	[sflag:s17] =	ssyncadd.s32 $0xFFFFF380  }
0x11e: {  	_ =	swait.ge [sflag:s17], $0xC80  }
0x11f: {  	[sflag:s17] =	ssyncset.done $0x0  }
0x120: {  	[sflag:s17] =	ssyncadd.s32 $0xFFFFF380  }
0x121: {  	_ =	swait.ge [sflag:s17], $0xC80  }
0x122: {  	[sflag:s17] =	ssyncset.done $0x0  }
0x123: {  	s20 =	smov.u32 s0;
	s19 =	simm.s32 $0x1900;
	[sflag:s17] =	ssyncadd.s32 $0xFFFFF380  }
.LBB2_2:
0x124: {  	_ =	swait.ge [sflag:s17], $0xC80  }
0x125: {  	[sflag:s17] =	ssyncset.done $0x0  }
0x126: {  	[sflag:s17] =	ssyncadd.s32 $0xFFFFF380  }
0x127: {  	_ =	swait.ge [sflag:s17], $0xC80  }
0x128: {  	[sflag:s17] =	ssyncset.done $0x0  }
0x129: {  	[sflag:s17] =	ssyncadd.s32 $0xFFFFF380  }
0x12a: {  	_ =	swait.ge [sflag:s17], $0xC80  }
0x12b: {  	[sflag:s17] =	ssyncset.done $0x0  }
0x12c: {  	[sflag:s17] =	ssyncadd.s32 $0xFFFFF380  }
0x12d: {  	_ =	swait.ge [sflag:s17], $0xC80  }
0x12e: {  	[sflag:s17] =	ssyncset.done $0x0  }
0x12f: {  	[sflag:s17] =	ssyncadd.s32 $0xFFFFF380  }
0x130: {  	_ =	swait.ge [sflag:s17], $0xC80  }
0x131: {  	[sflag:s17] =	ssyncset.done $0x0  }
0x132: {  	[sflag:s17] =	ssyncadd.s32 $0xFFFFF380  }
0x133: {  	_ =	swait.ge [sflag:s17], $0xC80  }
0x134: {  	[sflag:s17] =	ssyncset.done $0x0  }
0x135: {  	[sflag:s17] =	ssyncadd.s32 $0xFFFFF380  }
0x136: {  	_ =	swait.ge [sflag:s17], $0xC80  }
0x137: {  	[sflag:s17] =	ssyncset.done $0x0  }
0x138: {  	[sflag:s17] =	ssyncadd.s32 $0xFFFFF380  }
0x139: {  	_ =	swait.ge [sflag:s17], $0xC80  }
0x13a: {  	[sflag:s17] =	ssyncset.done $0x0  }
0x13b: {  	[sflag:s17] =	ssyncadd.s32 $0xFFFFF380  }
0x13c: {  	_ =	swait.ge [sflag:s17], $0xC80  }
0x13d: {  	[sflag:s17] =	ssyncset.done $0x0  }
0x13e: {  	[sflag:s17] =	ssyncadd.s32 $0xFFFFF380  }
0x13f: {  	_ =	swait.ge [sflag:s17], $0xC80  }
0x140: {  	[sflag:s17] =	ssyncset.done $0x0  }
0x141: {  	s20 =	sadd.s32 $0x190, s20;
	[sflag:s17] =	ssyncadd.s32 $0xFFFFF380  }
0x142: {  	[tilespmem:s2], [sflag:$0x3] =	stream.linear.gather [hbm4b:s20+s2], $0xC80, $0x38;
	[tilespmem:$0xD480] =	vst v63  }
0x143: {  	_ =	swait.ge [sflag:s3], $0xC80  }
0x144: {  	s28 =	sld [smem:$0x7D2]  }
0x145: {  	s0 =	sld [smem:$0x7F1]  }
0x146: {  	s30 =	sld [smem:$0x7D3]  }
0x147: {  	s14 =	sld [smem:$0x7ED]  }
0x148: {  	s31 =	rddreg [dreg:$0x1e]  }
0x149: {  	s24 =	sld [smem:$0x7E9]  }
0x14a: {  	s25 =	sld [smem:$0x7E5]  }
0x14b: {  	s4 =	rddreg [dreg:$0x1d]  }
0x14c: {  	s26 =	sld [smem:$0x7E1]  }
0x14d: {  	s5 =	rddreg [dreg:$0x1a]  }
0x14e: {  	s29 =	sld [smem:$0x7DD]  }
0x14f: {  	s18 =	rddreg [dreg:$0x19]  }
0x150: {  	s1 =	sld [smem:$0x7D9]  }
0x151: {  	s10 =	rddreg [dreg:$0x16]  }
0x152: {  	s11 =	sld [smem:$0x7D5]  }
0x153: {  	s12 =	rddreg [dreg:$0x1f]  }
0x154: {  	s13 =	rddreg [dreg:$0x1b]  }
0x155: {  	s15 =	rddreg [dreg:$0x14]  }
0x156: {  	s16 =	rddreg [dreg:$0x17]  }
0x157: {  	[sflag:s3] =	ssyncset.done $0x0;
	s8 =	rddreg [dreg:$0x13]  }
0x158: {  	s6 =	rddreg [dreg:$0x15];
	[sflag:s3] =	ssyncadd.s32 $0xFFFFF380;
	s3 =	simm.s32 $0xC80  }
0x159: {  	[tilespmem:s3], [sflag:$0x1] =	stream.indirect.gather [hbm4b:s23+s7], $0x10, s2, s7, $0xb8;
	[tilespmem:$0xD480] =	vst v63  }
0x15a: {  	s3 =	sld [smem:$0x7D4]  }
0x15b: {  	s2 =	sld [smem:$0x7D7]  }
0x15c: {  	[smem:$0x7D0] =	sst s0  }
0x15d: {  	[smem:$0x7CF] =	sst s14  }
0x15e: {  	s0 =	rddreg [dreg:$0x1c]  }
0x15f: {  	s14 =	rddreg [dreg:$0x18]  }
0x160: {  	[tilespmem:s8], [sflag:$0x1] =	stream.indirect.gather [hbm4b:s23+s7], $0x10, s7, s7, $0xb8;
	[tilespmem:$0xD480] =	vst v63  }
0x161: {  	s8 =	sld [smem:$0x7D6]  }
0x162: {  	[tilespmem:s6], [sflag:$0x1] =	stream.indirect.gather [hbm4b:s23+s7], $0x10, s15, s7, $0xb8;
	[tilespmem:$0xD480] =	vst v63  }
0x163: {  	s6 =	sld [smem:$0x7D8]  }
0x164: {  	s15 =	sld [smem:$0x7DC]  }
0x165: {  	[tilespmem:s16], [sflag:$0x1] =	stream.indirect.gather [hbm4b:s23+s7], $0x10, s10, s7, $0xb8;
	[tilespmem:$0xD480] =	vst v63  }
0x166: {  	s10 =	sld [smem:$0x7DB]  }
0x167: {  	s16 =	sld [smem:$0x7DF]  }
0x168: {  	[tilespmem:s18], [sflag:$0x1] =	stream.indirect.gather [hbm4b:s23+s7], $0x10, s14, s7, $0xb8;
	[tilespmem:$0xD480] =	vst v63  }
0x169: {  	s14 =	sld [smem:$0x7DA]  }
0x16a: {  	[tilespmem:s13], [sflag:$0x1] =	stream.indirect.gather [hbm4b:s23+s7], $0x10, s5, s7, $0xb8;
	[tilespmem:$0xD480] =	vst v63  }
0x16b: {  	s18 =	sld [smem:$0x7DE]  }
0x16c: {  	[tilespmem:s4], [sflag:$0x1] =	stream.indirect.gather [hbm4b:s23+s7], $0x10, s0, s7, $0xb8;
	[tilespmem:$0xD480] =	vst v63  }
0x16d: {  	s5 =	sld [smem:$0x7CF]  }
0x16e: {  	[tilespmem:s12], [sflag:$0x1] =	stream.indirect.gather [hbm4b:s23+s7], $0x10, s31, s7, $0xb8;
	[tilespmem:$0xD480] =	vst v63  }
0x16f: {  	s31 =	sld [smem:$0x7E3]  }
0x170: {  	[tilespmem:s30], [sflag:$0x1] =	stream.indirect.gather [hbm4b:s23+s7], $0x10, s28, s7, $0xb8;
	[tilespmem:$0xD480] =	vst v63  }
0x171: {  	s30 =	sld [smem:$0x7E0]  }
0x172: {  	[tilespmem:s11], [sflag:$0x1] =	stream.indirect.gather [hbm4b:s23+s7], $0x10, s3, s7, $0xb8;
	[tilespmem:$0xD480] =	vst v63  }
0x173: {  	s28 =	sld [smem:$0x7EC]  }
0x174: {  	[tilespmem:s2], [sflag:$0x1] =	stream.indirect.gather [hbm4b:s23+s7], $0x10, s8, s7, $0xb8;
	[tilespmem:$0xD480] =	vst v63  }
0x175: {  	s11 =	sld [smem:$0x7E4]  }
0x176: {  	[tilespmem:s1], [sflag:$0x1] =	stream.indirect.gather [hbm4b:s23+s7], $0x10, s6, s7, $0xb8;
	[tilespmem:$0xD480] =	vst v63  }
0x177: {  	s8 =	sld [smem:$0x7E2]  }
0x178: {  	[tilespmem:s10], [sflag:$0x1] =	stream.indirect.gather [hbm4b:s23+s7], $0x10, s14, s7, $0xb8;
	[tilespmem:$0xD480] =	vst v63  }
0x179: {  	s6 =	sld [smem:$0x7F3]  }
0x17a: {  	[tilespmem:s29], [sflag:$0x1] =	stream.indirect.gather [hbm4b:s23+s7], $0x10, s15, s7, $0xb8;
	[tilespmem:$0xD480] =	vst v63  }
0x17b: {  	s14 =	sld [smem:$0x7E7]  }
0x17c: {  	[tilespmem:s16], [sflag:$0x1] =	stream.indirect.gather [hbm4b:s23+s7], $0x10, s18, s7, $0xb8;
	[tilespmem:$0xD480] =	vst v63  }
0x17d: {  	s10 =	sld [smem:$0x7D0]  }
0x17e: {  	[tilespmem:s26], [sflag:$0x1] =	stream.indirect.gather [hbm4b:s23+s7], $0x10, s30, s7, $0xb8;
	[tilespmem:$0xD480] =	vst v63  }
0x17f: {  	s15 =	sld [smem:$0x7E6]  }
0x180: {  	[tilespmem:s31], [sflag:$0x1] =	stream.indirect.gather [hbm4b:s23+s7], $0x10, s8, s7, $0xb8;
	[tilespmem:$0xD480] =	vst v63  }
0x181: {  	s16 =	sld [smem:$0x7E8]  }
0x182: {  	[tilespmem:s25], [sflag:$0x1] =	stream.indirect.gather [hbm4b:s23+s7], $0x10, s11, s7, $0xb8;
	[tilespmem:$0xD480] =	vst v63  }
0x183: {  	s18 =	sld [smem:$0x7EB]  }
0x184: {  	[tilespmem:s14], [sflag:$0x1] =	stream.indirect.gather [hbm4b:s23+s7], $0x10, s15, s7, $0xb8;
	[tilespmem:$0xD480] =	vst v63  }
0x185: {  	s26 =	sld [smem:$0x7EA]  }
0x186: {  	[tilespmem:s24], [sflag:$0x1] =	stream.indirect.gather [hbm4b:s23+s7], $0x10, s16, s7, $0xb8;
	[tilespmem:$0xD480] =	vst v63  }
0x187: {  	s29 =	sld [smem:$0x7EF]  }
0x188: {  	[tilespmem:s18], [sflag:$0x1] =	stream.indirect.gather [hbm4b:s23+s7], $0x10, s26, s7, $0xb8;
	[tilespmem:$0xD480] =	vst v63  }
0x189: {  	s30 =	sld [smem:$0x7EE]  }
0x18a: {  	[tilespmem:s5], [sflag:$0x1] =	stream.indirect.gather [hbm4b:s23+s7], $0x10, s28, s7, $0xb8;
	[tilespmem:$0xD480] =	vst v63  }
0x18b: {  	s31 =	sld [smem:$0x7F0]  }
0x18c: {  	[tilespmem:s29], [sflag:$0x1] =	stream.indirect.gather [hbm4b:s23+s7], $0x10, s30, s7, $0xb8;
	[tilespmem:$0xD480] =	vst v63  }
0x18d: {  	s8 =	sld [smem:$0x7F2]  }
0x18e: {  	[tilespmem:s10], [sflag:$0x1] =	stream.indirect.gather [hbm4b:s23+s7], $0x10, s31, s7, $0xb8;
	[tilespmem:$0xD480] =	vst v63  }
0x18f: {  	_ = 	snop  }
0x190: {  	[tilespmem:s6], [sflag:$0x1] =	stream.indirect.gather [hbm4b:s23+s7], $0x10, s8, s7, $0xb8;
	[tilespmem:$0xD480] =	vst v63  }
0x191: {  	_ =	swait.ge [sflag:s9], $0x800  }
0x192: {  	[sflag:s9] =	ssyncset.done $0x0  }
0x193: {  	[sflag:s9] =	ssyncadd.s32 $0xFFFFF800  }
0x194: {  	_ =	swait.ge [sflag:s9], $0x800  }
0x195: {  	[sflag:s9] =	ssyncset.done $0x0  }
0x196: {  	[sflag:s9] =	ssyncadd.s32 $0xFFFFF800  }
0x197: {  	_ =	swait.ge [sflag:s9], $0x800  }
0x198: {  	[sflag:s9] =	ssyncset.done $0x0  }
0x199: {  	[sflag:s9] =	ssyncadd.s32 $0xFFFFF800  }
0x19a: {  	_ =	swait.ge [sflag:s9], $0x800  }
0x19b: {  	[sflag:s9] =	ssyncset.done $0x0  }
0x19c: {  	[sflag:s9] =	ssyncadd.s32 $0xFFFFF800  }
0x19d: {  	_ =	swait.ge [sflag:s9], $0x800  }
0x19e: {  	[sflag:s9] =	ssyncset.done $0x0  }
0x19f: {  	[sflag:s9] =	ssyncadd.s32 $0xFFFFF800  }
0x1a0: {  	_ =	swait.ge [sflag:s9], $0x800  }
0x1a1: {  	[sflag:s9] =	ssyncset.done $0x0  }
0x1a2: {  	[sflag:s9] =	ssyncadd.s32 $0xFFFFF800  }
0x1a3: {  	_ =	swait.ge [sflag:s9], $0x800  }
0x1a4: {  	[sflag:s9] =	ssyncset.done $0x0  }
0x1a5: {  	[sflag:s9] =	ssyncadd.s32 $0xFFFFF800  }
0x1a6: {  	_ =	swait.ge [sflag:s9], $0x800  }
0x1a7: {  	[sflag:s9] =	ssyncset.done $0x0  }
0x1a8: {  	[sflag:s9] =	ssyncadd.s32 $0xFFFFF800  }
0x1a9: {  	_ =	swait.ge [sflag:s9], $0x800  }
0x1aa: {  	[sflag:s9] =	ssyncset.done $0x0  }
0x1ab: {  	[sflag:s9] =	ssyncadd.s32 $0xFFFFF800  }
0x1ac: {  	_ =	swait.ge [sflag:s9], $0x800  }
0x1ad: {  	[sflag:s9] =	ssyncset.done $0x0  }
0x1ae: {  	[sflag:s9] =	ssyncadd.s32 $0xFFFFF800  }
0x1af: {  	_ =	swait.ge [sflag:s9], $0x800  }
0x1b0: {  	[sflag:s9] =	ssyncset.done $0x0  }
0x1b1: {  	[sflag:s9] =	ssyncadd.s32 $0xFFFFF800  }
0x1b2: {  	_ =	swait.ge [sflag:s9], $0x800  }
0x1b3: {  	[sflag:s9] =	ssyncset.done $0x0  }
0x1b4: {  	[sflag:s9] =	ssyncadd.s32 $0xFFFFF800  }
0x1b5: {  	_ =	swait.ge [sflag:s9], $0x800  }
0x1b6: {  	[sflag:s9] =	ssyncset.done $0x0  }
0x1b7: {  	[sflag:s9] =	ssyncadd.s32 $0xFFFFF800  }
0x1b8: {  	_ =	swait.ge [sflag:s9], $0x800  }
0x1b9: {  	[sflag:s9] =	ssyncset.done $0x0  }
0x1ba: {  	[sflag:s9] =	ssyncadd.s32 $0xFFFFF800  }
0x1bb: {  	_ =	swait.ge [sflag:s9], $0x800  }
0x1bc: {  	[sflag:s9] =	ssyncset.done $0x0  }
0x1bd: {  	[sflag:s9] =	ssyncadd.s32 $0xFFFFF800  }
0x1be: {  	_ =	swait.ge [sflag:s9], $0x800  }
0x1bf: {  	[sflag:s9] =	ssyncset.done $0x0  }
0x1c0: {  	[sflag:s9] =	ssyncadd.s32 $0xFFFFF800  }
0x1c1: {  	_ =	swait.ge [sflag:s9], $0x800  }
0x1c2: {  	[sflag:s9] =	ssyncset.done $0x0  }
0x1c3: {  	[sflag:s9] =	ssyncadd.s32 $0xFFFFF800  }
0x1c4: {  	_ =	swait.ge [sflag:s9], $0x800  }
0x1c5: {  	[sflag:s9] =	ssyncset.done $0x0  }
0x1c6: {  	[sflag:s9] =	ssyncadd.s32 $0xFFFFF800  }
0x1c7: {  	_ =	swait.ge [sflag:s9], $0x800  }
0x1c8: {  	[sflag:s9] =	ssyncset.done $0x0  }
0x1c9: {  	[sflag:s9] =	ssyncadd.s32 $0xFFFFF800  }
0x1ca: {  	_ =	swait.ge [sflag:s9], $0x800  }
0x1cb: {  	[sflag:s9] =	ssyncset.done $0x0  }
0x1cc: {  	[sflag:s9] =	ssyncadd.s32 $0xFFFFF800  }
0x1cd: {  	_ =	swait.ge [sflag:s9], $0x800  }
0x1ce: {  	[sflag:s9] =	ssyncset.done $0x0  }
0x1cf: {  	[sflag:s9] =	ssyncadd.s32 $0xFFFFF800  }
0x1d0: {  	_ =	swait.ge [sflag:s9], $0x800  }
0x1d1: {  	[sflag:s9] =	ssyncset.done $0x0  }
0x1d2: {  	[sflag:s9] =	ssyncadd.s32 $0xFFFFF800  }
0x1d3: {  	_ =	swait.ge [sflag:s9], $0x800  }
0x1d4: {  	[sflag:s9] =	ssyncset.done $0x0  }
0x1d5: {  	[sflag:s9] =	ssyncadd.s32 $0xFFFFF800  }
0x1d6: {  	_ =	swait.ge [sflag:s9], $0x800  }
0x1d7: {  	[sflag:s9] =	ssyncset.done $0x0  }
0x1d8: {  	[sflag:s9] =	ssyncadd.s32 $0xFFFFF800  }
0x1d9: {  	_ =	swait.ge [sflag:s9], $0x800  }
0x1da: {  	s11 =	rddreg [dreg:$0x10]  }
0x1db: {  	s2 =	sld [smem:$0x7FC]  }
0x1dc: {  	s12 =	sld [smem:$0x7F5]  }
0x1dd: {  	s18 =	rddreg [dreg:$0x11]  }
0x1de: {  	s24 =	sld [smem:$0x7F4]  }
0x1df: {  	s25 =	rddreg [dreg:$0xf]  }
0x1e0: {  	s26 =	rddreg [dreg:$0x12]  }
0x1e1: {  	s21 =	smov.u32 s19;
	s28 =	sld [smem:$0x7FA]  }
0x1e2: {  	s31 =	simm.s32 $0xC80;
	[sflag:s9] =	ssyncset.done $0x0;
	s29 =	sld [smem:$0x7F8]  }
0x1e3: {  	s30 =	sld [smem:$0x7FB];
	[sflag:s9] =	ssyncadd.s32 $0xFFFFF800;
	s8 =	sadd.s32 s21, s26  }
0x1e4: {  	[hbm4b:s8+s22] =	stream.linear.scatter [tilespmem:s31], [sflag:$0x2], $0xC80, $0x38;
	[tilespmem:$0xD480] =	vst v63  }
0x1e5: {  	s15 =	rddreg [dreg:$0xe];
	s4 =	sadd.s32 s21, s18  }
0x1e6: {  	[hbm4b:s4+s22] =	stream.linear.scatter [tilespmem:s24], [sflag:$0x2], $0xC80, $0x38;
	[tilespmem:$0xD480] =	vst v63  }
0x1e7: {  	s16 =	sld [smem:$0x7F7];
	s0 =	sadd.s32 s21, s11  }
0x1e8: {  	[hbm4b:s0+s22] =	stream.linear.scatter [tilespmem:s12], [sflag:$0x2], $0xC80, $0x38;
	[tilespmem:$0xD480] =	vst v63  }
0x1e9: {  	s6 =	sadd.s32 s21, s25;
	s18 =	rddreg [dreg:$0xd]  }
0x1ea: {  	[hbm4b:s6+s22] =	stream.linear.scatter [tilespmem:s16], [sflag:$0x2], $0xC80, $0x38;
	[tilespmem:$0xD480] =	vst v63  }
0x1eb: {  	s25 =	rddreg [dreg:$0xc];
	s24 =	sadd.s32 s21, s15  }
0x1ec: {  	[hbm4b:s24+s22] =	stream.linear.scatter [tilespmem:s29], [sflag:$0x2], $0xC80, $0x38;
	[tilespmem:$0xD480] =	vst v63  }
0x1ed: {  	s26 =	rddreg [dreg:$0xb];
	s0 =	sadd.s32 s21, s18  }
0x1ee: {  	[hbm4b:s0+s22] =	stream.linear.scatter [tilespmem:s28], [sflag:$0x2], $0xC80, $0x38;
	[tilespmem:$0xD480] =	vst v63  }
0x1ef: {  	s31 =	sld [smem:$0x7FD];
	s28 =	sadd.s32 s21, s25  }
0x1f0: {  	[hbm4b:s28+s22] =	stream.linear.scatter [tilespmem:s30], [sflag:$0x2], $0xC80, $0x38;
	[tilespmem:$0xD480] =	vst v63  }
0x1f1: {  	s29 =	rddreg [dreg:$0xa];
	s30 =	sadd.s32 s21, s26  }
0x1f2: {  	[hbm4b:s30+s22] =	stream.linear.scatter [tilespmem:s2], [sflag:$0x2], $0xC80, $0x38;
	[tilespmem:$0xD480] =	vst v63  }
0x1f3: {  	s5 =	simm.s32 $0x7D00;
	s1 =	rddreg [dreg:$0x9];
	s4 =	sadd.s32 s21, s29  }
0x1f4: {  	[hbm4b:s4+s22] =	stream.linear.scatter [tilespmem:s31], [sflag:$0x2], $0xC80, $0x38;
	[tilespmem:$0xD480] =	vst v63  }
0x1f5: {  	s10 =	simm.s32 $0xA280;
	s14 =	rddreg [dreg:$0x8];
	s1 =	sadd.s32 s21, s1  }
0x1f6: {  	[hbm4b:s1+s22] =	stream.linear.scatter [tilespmem:s5], [sflag:$0x2], $0xC80, $0x38;
	[tilespmem:$0xD480] =	vst v63  }
0x1f7: {  	s15 =	rddreg [dreg:$0x7];
	s6 =	simm.s32 $0x8980;
	s16 =	sadd.s32 s21, s14  }
0x1f8: {  	[hbm4b:s16+s22] =	stream.linear.scatter [tilespmem:s6], [sflag:$0x2], $0xC80, $0x38;
	[tilespmem:$0xD480] =	vst v63  }
0x1f9: {  	s8 =	simm.s32 $0x9600;
	s18 =	rddreg [dreg:$0x6];
	s0 =	sadd.s32 s21, s15  }
0x1fa: {  	[hbm4b:s0+s22] =	stream.linear.scatter [tilespmem:s8], [sflag:$0x2], $0xC80, $0x38;
	[tilespmem:$0xD480] =	vst v63  }
0x1fb: {  	s11 =	simm.s32 $0xAF00;
	s24 =	rddreg [dreg:$0x5];
	s25 =	sadd.s32 s21, s18  }
0x1fc: {  	[hbm4b:s25+s22] =	stream.linear.scatter [tilespmem:s10], [sflag:$0x2], $0xC80, $0x38;
	[tilespmem:$0xD480] =	vst v63  }
0x1fd: {  	s12 =	simm.s32 $0xBB80;
	s26 =	rddreg [dreg:$0x4];
	s28 =	sadd.s32 s21, s24  }
0x1fe: {  	[hbm4b:s28+s22] =	stream.linear.scatter [tilespmem:s11], [sflag:$0x2], $0xC80, $0x38;
	[tilespmem:$0xD480] =	vst v63  }
0x1ff: {  	s29 =	rddreg [dreg:$0x3];
	s30 =	sadd.s32 s21, s26;
	s2 =	simm.s32 $0x0  }
0x200: {  	[hbm4b:s30+s2] =	stream.linear.scatter [tilespmem:s12], [sflag:$0x2], $0xC80, $0x38;
	[tilespmem:$0xD480] =	vst v63  }
0x201: {  	s13 =	simm.s32 $0xC800;
	s31 =	sadd.s32 s21, s29  }
0x202: {  	[hbm4b:s31+s2] =	stream.linear.scatter [tilespmem:s13], [sflag:$0x2], $0xC80, $0x38;
	[tilespmem:$0xD480] =	vst v63  }
0x203: {  	_ =	swait.ge [sflag:s17], $0xC80  }
0x204: {  	[sflag:s17] =	ssyncset.done $0x0  }
0x205: {  	[sflag:s17] =	ssyncadd.s32 $0xFFFFF380  }
0x206: {  	_ =	swait.ge [sflag:s17], $0xC80  }
0x207: {  	[sflag:s17] =	ssyncset.done $0x0  }
0x208: {  	[sflag:s17] =	ssyncadd.s32 $0xFFFFF380  }
0x209: {  	_ =	swait.ge [sflag:s17], $0xC80  }
0x20a: {  	[sflag:s17] =	ssyncset.done $0x0  }
0x20b: {  	[sflag:s17] =	ssyncadd.s32 $0xFFFFF380  }
0x20c: {  	_ =	swait.ge [sflag:s17], $0xC80  }
0x20d: {  	[sflag:s17] =	ssyncset.done $0x0  }
0x20e: {  	[sflag:s17] =	ssyncadd.s32 $0xFFFFF380  }
0x20f: {  	p0 =	sne.s32 s19, $0x30700;
	_ =	swait.ge [sflag:s17], $0xC80  }
.Ltmp0:
0x210: {  	[sflag:s17] =	ssyncset.done $0x0;
	(pc) =	sbr.rel @p0 .LBB2_2-.Ltmp0, $4  }
0x211: {  	[sflag:s17] =	ssyncadd.s32 $0xFFFFF380  }
0x212: {  	_ =	swait.ge [sflag:s17], $0xC80  }
0x213: {  	[sflag:s17] =	ssyncset.done $0x0  }
0x214: {  	s19 =	sadd.s32 $0x1900, s19;
	s3 =	simm.s32 $0x3;
	[sflag:s17] =	ssyncadd.s32 $0xFFFFF380  }
0x215: {  	_ =	swait.ge [sflag:s17], $0xC80  }
0x216: {  	[sflag:s17] =	ssyncset.done $0x0  }
0x217: {  	[sflag:s17] =	ssyncadd.s32 $0xFFFFF380  }
0x218: {  	_ =	swait.ge [sflag:s17], $0xC80  }
0x219: {  	[sflag:s17] =	ssyncset.done $0x0  }
0x21a: {  	[sflag:s17] =	ssyncadd.s32 $0xFFFFF380  }
0x21b: {  	_ =	swait.ge [sflag:s17], $0xC80  }
0x21c: {  	[sflag:s17] =	ssyncset.done $0x0  }
0x21d: {  	[sflag:s17] =	ssyncadd.s32 $0xFFFFF380  }
0x21e: {  	_ =	swait.ge [sflag:s17], $0xC80  }
0x21f: {  	[sflag:s17] =	ssyncset.done $0x0  }
0x220: {  	[sflag:s17] =	ssyncadd.s32 $0xFFFFF380  }
0x221: {  	_ =	swait.ge [sflag:s17], $0xC80  }
0x222: {  	[sflag:s17] =	ssyncset.done $0x0  }
0x223: {  	[sflag:s17] =	ssyncadd.s32 $0xFFFFF380  }
0x224: {  	_ =	swait.ge [sflag:s17], $0xC80  }
0x225: {  	[sflag:s17] =	ssyncset.done $0x0  }
0x226: {  	[sflag:s17] =	ssyncadd.s32 $0xFFFFF380  }
0x227: {  	_ =	swait.ge [sflag:s17], $0xC80  }
0x228: {  	[sflag:s17] =	ssyncset.done $0x0  }
0x229: {  	[sflag:s17] =	ssyncadd.s32 $0xFFFFF380  }
0x22a: {  	_ =	swait.ge [sflag:s17], $0xC80  }
0x22b: {  	[sflag:s17] =	ssyncset.done $0x0  }
0x22c: {  	[sflag:s17] =	ssyncadd.s32 $0xFFFFF380  }
0x22d: {  	_ =	swait.ge [sflag:s17], $0xC80  }
0x22e: {  	[sflag:s17] =	ssyncset.done $0x0  }
0x22f: {  	[sflag:s17] =	ssyncadd.s32 $0xFFFFF380  }
0x230: {  	_ =	swait.ge [sflag:s17], $0xC80  }
0x231: {  	s1 =	sld [smem:$0x7D1]  }
0x232: {  	s0 =	sld [smem:$0x7F6];
	_ =	sdelay $0x1  }
0x233: {  	s1 =	sadd.s32 $0x1, s1  }
0x234: {  	p0 =	sne.s32 s1, s0  }
.Ltmp1:
0x235: {  	_ = 	snop;
	(pc) =	sbr.rel @p0 .LBB2_1-.Ltmp1, $3  }
0x236: {  	_ =	sdelay $0x1  }
0x237: {  	[sflag:s17] =	ssyncset.done $0x0  }
0x238: {  	s4 =	simm.s32 $0xC80;
	[sflag:s17] =	ssyncadd.s32 $0xFFFFF380  }
0x239: {  	_ =	sfence.sel $0x180000  }
0x23a: {  	[bflag:$0x0] =	sbarrier.arrive $0xFFFF  }
0x23b: {  	_ =	strace $0x90000047  }
0x23c: {  	s0 =	stileid.u32;
	[bflag:$0x2] =	sbarrier.arrive $0xFFFF  }
0x23d: {  	p0 =	sne.s32 s0, $0x0;
	s0 =	rddreg [dreg:$0x2]  }
0x23e: {  	s0 =	sadd.s32 @!p0 $0x100000, s0  }
0x23f: {  	[sflag:s0] =	ssyncadd.tile.s32 @!p0 $0x1;
	_ =	shalt  }
.Lfunc_end2:
_tile_overlayer_lowered:
.L_overlay_start_2:
0x240: {  	(tag) =	ssettag $0x2  }
0x241: {  	s0 =	rddreg [dreg:$0x0];
	s2 =	stileid.u32  }
0x242: {  	s1 =	rddreg [dreg:$0x1];
	p0 =	sne.s32 s2, $0x0  }
0x243: {  	s3 =	rddreg [dreg:$0x2];
	[bflag:$0x3] =	sbarrier.arrive $0xFFFF;
	s2 =	simm.s32 @!p0 $0x1C03  }
0x244: {  	[timem:s3], [sflag:s2] =	dma.local @!p0 [hbm:s0], s1  }
0x245: {  	s0 =	simm.s32 @!p0 $0x3  }
0x246: {  	_ =	swait.ge @!p0 [sflag:s0], s1  }
0x247: {  	s1 =	ssub.s32 @!p0 $0x0, s1;
	[sflag:s0] =	ssyncset.done @!p0 $0x0  }
0x248: {  	[sflag:s0] =	ssyncadd.s32 @!p0 s1  }
0x249: {  	[bflag:$0x3] =	sbarrier.arrive $0xFFFF  }
0x24a: {  	_ =	shalt  }

// kernel: sparse-core-data-format-call.cloned.1.call-start
scs
called_computation_lowered:
.L_overlay_start_0:
0x0: {  	s2 =	sld [smem:$0x3FD9]  }
0x1: {  	s3 =	sld [smem:$0x3FFE];
	_ =	sdelay $0x1  }
0x2: {  	s1 =	srdreg.scid  }
0x3: {  	s0 =	sand.u32 $0x1, s1  }
0x4: {  	s15 =	sshll.u32 s0, $0xA;
	s2 =	sadd.s32 s3, s2  }
0x5: {  	s2 =	sadd.s32 s2, s15  }
0x6: {  	[smem:$0x3FC4] =	sst s2  }
0x7: {  	_ = 	snop  }
0x8: {  	s2 =	sld [smem:$0x3FD0];
	_ =	sdelay $0x2  }
0x9: {  	s16 =	simm.s32 $0xA;
	s4 =	simm.s32 $0x10  }
0xa: {  	[smem:s4], [sflag:s16] =	dma.local [hbm:s2], $0x1  }
0xb: {  	_ =	swait.eq [sflag:s16], $0x1  }
0xc: {  	[sflag:s16] =	ssyncset.done $0x0  }
0xd: {  	[sflag:s16] =	ssyncadd.s32 $0xFFFFFFFF  }
0xe: {  	s17 =	sld [smem:$0x11];
	(tm) =	ssettm $0x1  }
0xf: {  	s18 =	sld [smem:$0x3FFB];
	_ =	sdelay $0x3  }
0x10: {  	_ =	strace s18  }
0x11: {  	s3 =	sld [smem:$0x3FFC];
	_ =	sdelay $0x3  }
0x12: {  	_ =	strace s3  }
0x13: {  	s3 =	sld [smem:$0x3FFD];
	_ =	sdelay $0x3  }
0x14: {  	_ =	strace s3  }
0x15: {  	_ =	strace $0x8FFFFFFF  }
0x16: {  	s19 =	sld [smem:$0x3FDB];
	_ =	sdelay $0x1  }
0x17: {  	s20 =	simm.s32 $_scs_section_size  }
0x18: {  	s5 =	simm.s32 $_size__tile_overlayer_lowered;
	s6 =	simm.s32 $_tile_overlayer_lowered  }
0x19: {  	s23 =	simm.s32 $0x1BFF;
	s22 =	sshll.u32 s6, $0x1;
	s3 =	sadd.s32 s20, s19  }
0x1a: {  	s7 =	simm.s32 $0x0;
	s21 =	sshll.u32 s5, $0x1;
	s5 =	sadd.s32 s22, s3  }
0x1b: {  	[timem:s7], [sflag:s23] =	dma.local [hbm:s5], s21  }
0x1c: {  	_ =	swait.ge [sflag:s23], s21  }
0x1d: {  	s4 =	ssub.s32 $0x0, s21;
	[sflag:s23] =	ssyncset.done $0x0  }
0x1e: {  	[sflag:s23] =	ssyncadd.s32 s4;
	_ =	sdelay $0x1  }
0x1f: {  	s24 =	simm.s32 $0x1B8B  }
0x20: {  	_ =	swait.ge [sflag:s24], $0x1  }
0x21: {  	[sflag:s24] =	ssyncset.done $0x0  }
0x22: {  	s26 =	simm.s32 $0x1B8E;
	s25 =	sld [smem:$0x3FFE];
	[sflag:s24] =	ssyncadd.s32 $0xFFFFFFFF  }
0x23: {  	s27 =	simm.s32 $execute0_lowered;
	[smem:$0x3FD2] =	sst s26  }
0x24: {  	s5 =	sshll.u32 s27, $0x1;
	_ =	strace $0x80000049;
	[dreg:$0x1] =	wrdreg $0xFFFFFFFF  }
0x25: {  	s28 =	simm.s32 $_size_execute0_lowered;
	s3 =	sadd.s32 s3, s5;
	[dreg:$0x0] =	wrdreg $0x0  }
0x26: {  	s5 =	sshll.u32 s28, $0x1;
	[dreg:$0x2] =	wrdreg s3  }
0x27: {  	[dreg:$0x3] =	wrdreg s5  }
0x28: {  	[dreg:$0x4] =	wrdreg $0xC0  }
0x29: {  	_ =	task [dreg:s7], $0x5FFFF  }
0x2a: {  	[dreg:$0x1] =	wrdreg $0xFFFFFFFF  }
0x2b: {  	[dreg:$0x0] =	wrdreg $0x60  }
0x2c: {  	[dreg:$0x2] =	wrdreg s25  }
0x2d: {  	[dreg:$0x3] =	wrdreg s17  }
0x2e: {  	[dreg:$0x4] =	wrdreg $0x9  }
0x2f: {  	_ =	task.clear_ibuf [dreg:s7], $0x5FFFF;
	_ =	strace $0x90000049  }
0x30: {  	s29 =	simm.s32 $0x9;
	_ =	strace $0x8000004B  }
0x31: {  	_ =	swait.ge [sflag:s29], $0x1  }
0x32: {  	[sflag:s29] =	ssyncadd.s32 $0xFFFFFFFF  }
0x33: {  	_ =	strace $0x9000004B  }
0x34: {  	_ =	sfence  }
0x35: {  	s30 =	sld [smem:$0x0];
	_ =	sdelay $0x2  }
0x36: {  	s31 =	sshll.u32 s1, $0xD;
	s1 =	sshrl.u32 s1, $0x2  }
0x37: {  	s3 =	sand.u32 $0x4000, s31;
	s1 =	sadd.s32 s1, s30  }
0x38: {  	s0 =	sor.u32 s3, s0;
	s1 =	sshll.u32 s1, $0x11  }
0x39: {  	s0 =	sor.u32 s1, s0  }
0x3a: {  	s0 =	sadd.s32 $0x8F2B, s0  }
0x3b: {  	[sflag:s0] =	ssyncadd.remote.s32 $0x1  }
0x3c: {  	_ =	sfence.sel $0xFFFF  }
0x3d: {  	[dreg:$0x0] =	wrdreg $0xFFFFFFFF;
	(pc) =	sbr.abs _section_cstart, $3  }
0x3e: {  	[dreg:$0x1] =	wrdreg $0xFFFFFFFF  }
0x3f: {  	_ =	task.clear_ibuf [dreg:s7], $0x2FFFF;
	_ =	strace $0x9FFFFFFF  }
0x40: {  	(tm) =	ssettm $0x7FFFFFFF  }
0x41: {  	_ =	shalt  }
tec
execute0_lowered:
.L_overlay_start_1:
0x0: {  	(tag) =	ssettag $0x1  }
0x1: {  	s0 =	srdreg.scid  }
0x2: {  	s1 =	sshll.u32 s0, $0x4  }
0x3: {  	s6 =	rddreg [dreg:$0x0];
	s0 =	stileid.u32;
	s1 =	sand.u32 $0x10, s1  }
0x4: {  	s3 =	rddreg [dreg:$0x1];
	s1 =	sor.u32 s0, s1  }
0x5: {  	s5 =	simm.s32 $0x1;
	s31 =	simm.s32 $0x2;
	s2 =	sshll.u32 s1, $0x7  }
0x6: {  	s15 =	simm.s32 $0x0;
	s8 =	simm.s32 $0x320000;
	s4 =	ssub.s32 $0x4000, s2  }
0x7: {  	s14 =	simm.s32 $0x0;
	s9 =	simm.s32 $0x0;
	s30 =	sand.u32 $0xF80, s4  }
0x8: {  	s10 =	simm.s32 $0x0;
	s11 =	simm.s32 $0x0;
	p0 =	sne.s32 s30, $0x0  }
.Ltmp0:
0x9: {  	s7 =	sshrl.u32 s4, $0xC;
	s5 =	simm.s32 @!p0 $0x0;
	(pc) =	sbr.rel .LBB1_1-.Ltmp0, $4  }
0xa: {  	s13 =	simm.s32 $0x0;
	s1 =	rddreg [dreg:$0x2];
	s5 =	sadd.s32 s5, s7  }
0xb: {  	_ =	strace $0x8000004A;
	s4 =	simm.s32 $0x1;
	s5 =	smul.u32 $0xC8, s5  }
0xc: {  	s6 =	sadd.s32 $0xBA6000, s6;
	s12 =	smov.u32 s2;
	[sflag:s4] =	ssyncpa.u1 $0x0  }
0xd: {  	[sflag:s31] =	ssyncpa.u1 $0x0;
	p0 =	por $0x0, $0x0;
	s7 =	sor.u32 $0x1, s5  }
.LBB1_4:
0xe: {  	s18 =	sshll.u32 s9, $0xE;
	s19 =	sand.u32 $0x78, s10;
	s20 =	sshll.u32 s10, $0x3  }
0xf: {  	s22 =	sshll.u32 s9, $0x7;
	p1 =	sgt.s32 s9, $0xC7;
	s25 =	sshra.s32 s9, $0x1F  }
0x10: {  	s23 =	smov.u32 s10;
	s24 =	sshra.s32 s10, $0x1F;
	s29 =	sand.u32 $0x7, s10  }
0x11: {  	s18 =	sand.u32 $0xFFFE0000, s18;
	s21 =	sand.u32 $0xFFFFFC00, s20;
	s20 =	sand.u32 $0x3C00, s20  }
0x12: {  	s30 =	sand.u32 $0x380, s22;
	s22 =	sand.u32 s25, s9;
	s18 =	sadd.s32 s21, s18  }
0x13: {  	s19 =	sor.u32 s19, s20;
	s20 =	smov.u32 s9;
	s18 =	sshrl.u32 s18, $0xE  }
0x14: {  	s20 =	simm.s32 @!p1 $0xC7;
	p1 =	sgt.s32 s10, $0x3F80;
	s31 =	smulhi.u32 $0x147AE15, s18  }
0x15: {  	s26 =	sand.u32 s24, s10;
	s20 =	ssub.s32 s20, s22;
	s23 =	simm.s32 @!p1 $0x3F80  }
0x16: {  	s27 =	ssub.s32 $0xC8, s20;
	s22 =	ssub.s32 s23, s26;
	s21 =	smul.u32 $0xC8, s31  }
0x17: {  	s20 =	sadd.s32 $0xFFFFFF39, s20;
	s23 =	smul.u32 $0xD, s27;
	s28 =	sadd.s32 $0xFFFFC080, s22  }
0x18: {  	p1 =	sgt.s32 s20, $0x0;
	s20 =	ssub.s32 $0x4000, s22;
	p2 =	sgt.s32 s28, $0x7F  }
0x19: {  	s19 =	sor.u32 s30, s19;
	s23 =	simm.s32 @p1 $0x0;
	s20 =	simm.s32 @p2 $0x0  }
0x1a: {  	s19 =	sshrl.u32 s19, $0x3;
	s18 =	ssub.s32 s18, s21;
	s20 =	smul.u32 s20, s23  }
0x1b: {  	s19 =	sadd.s32 s3, s19;
	s21 =	sshll.u32 s29, $0x12;
	s18 =	sshll.u32 s18, $0xB  }
0x1c: {  	[tilespmem:s17+$0x0 ss:$0x81] =	vst.msk $0xffff, v0;
	s31 =	sor.u32 $0x80, s21;
	s18 =	sadd.s32 s18, s19;
	s30 =	sand.u32 $0x3FFFFFFF, s20  }
0x1d: {  	[hbm4b:s18+s31] =	stream.strided.scatter [tilespmem:s16], [sflag:$0x2], s30, s8, s31, $0x20;
	[tilespmem:$0x2020] =	vst v63  }
.LBB1_5:
0x1e: {  	p1 =	slt.u32 s13, $0x2  }
0x1f: {  	s17 =	smov.u32 s15;
	p2 =	sgt.s32 @!p1 s15, $0xC7;
	s16 =	sshra.s32 @!p1 s15, $0x1F  }
0x20: {  	p3 =	sgt.s32 @!p1 s14, $0x3F80;
	s18 =	sshra.s32 @!p1 s14, $0x1F;
	p2 =	por !p2, p1  }
0x21: {  	s15 =	sand.u32 @!p1 s16, s15;
	p3 =	por !p3, p1;
	s16 =	smov.u32 s14  }
0x22: {  	s14 =	sand.u32 @!p1 s18, s14;
	s17 =	simm.s32 @p2 $0xC7;
	s16 =	simm.s32 @p3 $0x3F80  }
0x23: {  	s18 =	smov.u32 s12;
	s15 =	ssub.s32 @!p1 s17, s15;
	s14 =	ssub.s32 @!p1 s16, s14  }
0x24: {  	s16 =	sadd.s32 @!p1 $0xFFFFFF39, s15;
	s15 =	ssub.s32 @!p1 $0xC8, s15;
	s17 =	sadd.s32 @!p1 $0xFFFFC080, s14  }
0x25: {  	p2 =	sgt.s32 @!p1 s16, $0x0;
	s15 =	smul.u32 @!p1 $0xD, s15;
	p3 =	sgt.s32 @!p1 s17, $0x7F  }
0x26: {  	s14 =	ssub.s32 @!p1 $0x4000, s14;
	p2 =	por !p2, p1;
	p3 =	por !p3, p1  }
0x27: {  	s16 =	sadd.s32 $0x1, s11;
	s15 =	simm.s32 @!p2 $0x0;
	s14 =	simm.s32 @!p3 $0x0  }
0x28: {  	p2 =	sgt.s32 s16, $0xC7;
	s14 =	smul.u32 @!p1 s14, s15;
	s15 =	sadd.s32 $0x1000, s12  }
0x29: {  	s18 =	smov.u32 @p2 s15  }
0x2a: {  	s16 =	simm.s32 @p2 $0x0;
	p2 =	sgt.s32 s18, $0x3FFF  }
0x2b: {  	s18 =	smov.u32 @p2 s2;
	p2 =	sne.s32 s13, s7  }
.Ltmp1:
0x2c: {  	p0 =	por !p0, !p0;
	s17 =	simm.s32 @!p1 $0x2;
	(pc) =	sbr.rel @!p2 .LBB1_6-.Ltmp1, $4  }
0x2d: {  	s15 =	smov.u32 s9;
	s9 =	smov.u32 s11;
	s14 =	sand.u32 @!p1 $0x3FFFFFFF, s14  }
0x2e: {  	s11 =	smov.u32 s16;
	_ =	swait.ge @!p1 [sflag:s17], s14;
	s19 =	ssub.s32 @!p1 $0x0, s14  }
0x2f: {  	s14 =	smov.u32 s10;
	s13 =	sadd.s32 $0x1, s13;
	[sflag:s17] =	ssyncset.done @!p1 $0x0  }
0x30: {  	s10 =	smov.u32 s12;
	s12 =	smov.u32 s18;
	[sflag:s17] =	ssyncadd.s32 @!p1 s19  }
.LBB1_1:
0x31: {  	p1 =	sge.u32 s13, s5  }
0x32: {  	s16 =	sand.u32 @!p1 $0x1FFFFFF, s11  }
0x33: {  	s17 =	smulhi.u32 @!p1 $0x147AE15, s16;
	_ =	sdelay $0x1  }
0x34: {  	s17 =	smul.u32 @!p1 $0xC8, s17  }
0x35: {  	s18 =	sxor.u32 @!p1 $0xFFFFFFFF, s13;
	s19 =	smul.u32 @!p1 $0xC80, s12  }
0x36: {  	s31 =	sadd.s32 $0xFFFFFFFF, s13;
	s18 =	sshll.u32 @!p1 s18, $0xB;
	s16 =	ssub.s32 @!p1 s16, s17  }
0x37: {  	s17 =	sand.u32 @!p1 $0x800, s18;
	s18 =	sadd.s32 @!p1 s6, s19;
	s16 =	sshll.u32 @!p1 s16, $0x4  }
0x38: {  	s19 =	simm.s32 @!p1 $0x6400;
	s16 =	sadd.s32 @!p1 s16, s18;
	s18 =	simm.s32 @!p1 $0x10  }
0x39: {  	[tilespmem:s17], [sflag:$0x1] =	stream.strided.gather @!p1 [hbm4b:s16+s18], $0x800, s19, s18, $0x38;
	[tilespmem:$0x2020] =	vst v63  }
0x3a: {  	p1 =	sge.u32 s31, s5  }
.Ltmp2:
0x3b: {  	_ = 	snop;
	(pc) =	sbr.rel @p1 .LBB1_5-.Ltmp2, $1  }
0x3c: {  	_ =	sdelay $0x3  }
0x3d: {  	s16 =	simm.s32 $0x1  }
0x3e: {  	s16 =	simm.s32 @!p0 $0x0  }
0x3f: {  	s17 =	sshll.u32 s16, $0xB  }
0x40: {  	v1 =	vmov s17;
	_ =	sdelay $0x1  }
0x41: {  	_ =	swait.ge [sflag:s4], $0x800  }
0x42: {  	s31 =	sand.u32 $0x1, s13;
	[sflag:s4] =	ssyncset.done $0x0  }
0x43: {  	s19 =	simm.s32 $0x0;
	s16 =	smul.u32 $0x2040, s16;
	[sflag:s4] =	ssyncadd.s32 $0xFFFFF800  }
0x44: {  	s17 =	smul.u32 $0x2040, s31;
	v0 =	vld.idx.msk [tilespmem:v1+s19+$0x0 ss:$0x1], $0xffff;
	_ =	sdelay $0x1  }
0x45: {  	s16 =	sshrl.u32 s16, $0x2;
	s18 =	sshrl.u32 s17, $0x2  }
0x46: {  	s17 =	sor.u32 $0x1000, s16;
	s16 =	sor.u32 $0x1000, s18;
	s18 =	simm.s32 $0x40  }
.LBB1_3:
0x47: {  	s19 =	sshra.s32 s18, $0x2;
	p1 =	sne.s32 s18, $0x1FC0;
	s18 =	sadd.s32 $0x40, s18  }
.Ltmp3:
0x48: {  	[tilespmem:s17+$0x0 ss:$0x81] =	vst.msk $0xffff, v0;
	v0 =	vld.idx.msk [tilespmem:v1+s19+$0x0 ss:$0x1], $0xffff;
	(pc) =	sbr.rel @p1 .LBB1_3-.Ltmp3, $2  }
0x49: {  	_ =	sdelay $0x2  }
0x4a: {  	s17 =	sadd.s32 $0x1, s17  }
.Ltmp4:
0x4b: {  	_ = 	snop;
	(pc) =	sbr.rel .LBB1_4-.Ltmp4, $1  }
0x4c: {  	_ =	sdelay $0x3  }
.LBB1_6:
0x4d: {  	_ =	sfence.sel $0x180000  }
0x4e: {  	s2 =	simm.s32 $0x1;
	[bflag:$0x0] =	sbarrier.arrive $0xFFFF  }
0x4f: {  	s31 =	simm.s32 $0x2;
	[sflag:s2] =	ssyncpa.u1 $0x1  }
0x50: {  	[sflag:s31] =	ssyncpa.u1 $0x1  }
0x51: {  	p0 =	sne.s32 s0, $0x0;
	_ =	strace $0x9000004A  }
0x52: {  	s0 =	sadd.s32 @!p0 $0x100000, s1;
	[bflag:$0x2] =	sbarrier.arrive $0xFFFF  }
0x53: {  	[sflag:s0] =	ssyncadd.tile.s32 @!p0 $0x1;
	_ =	shalt  }
.Lfunc_end1:
_tile_overlayer_lowered:
.L_overlay_start_2:
0x54: {  	(tag) =	ssettag $0x2  }
0x55: {  	s0 =	rddreg [dreg:$0x0];
	s2 =	stileid.u32  }
0x56: {  	s1 =	rddreg [dreg:$0x1];
	p0 =	sne.s32 s2, $0x0  }
0x57: {  	s3 =	rddreg [dreg:$0x2];
	[bflag:$0x3] =	sbarrier.arrive $0xFFFF;
	s2 =	simm.s32 @!p0 $0x1C01  }
0x58: {  	[timem:s3], [sflag:s2] =	dma.local @!p0 [hbm:s0], s1  }
0x59: {  	s0 =	simm.s32 @!p0 $0x1  }
0x5a: {  	_ =	swait.ge @!p0 [sflag:s0], s1  }
0x5b: {  	s1 =	ssub.s32 @!p0 $0x0, s1;
	[sflag:s0] =	ssyncset.done @!p0 $0x0  }
0x5c: {  	[sflag:s0] =	ssyncadd.s32 @!p0 s1  }
0x5d: {  	[bflag:$0x3] =	sbarrier.arrive $0xFFFF  }
0x5e: {  	_ =	shalt  }

</sc_bundles>
